<compile_context>
chip_gen: v7x
topology: tpu7x:2x2x1
jax: 0.10.2.dev20260603
libtpu: 0.0.44.dev20260713+nightly
codegen_flags: <defaults>
</compile_context>

<pallas_src>
import jax
import jax.numpy as jnp
from jax import lax
from jax.experimental import pallas as pl
from jax.experimental.pallas import tpu as pltpu
from jax.experimental.pallas import tpu_sc as plsc

B, C, N = 4, 128, 128
PAD = 128
PW = N + 2 * PAD
NRES = 8
NCEN = N // NRES
TW = 192
NT = 8
CPB = N // NT


def _sc_body(feat_hbm, o64_hbm, o256_hbm, raw, buf3, bufT, sem):
    cid = lax.axis_index("c")
    sid = lax.axis_index("s")
    wid = sid * 2 + cid
    b = wid // NRES
    s = wid % NRES

    in_cp = pltpu.make_async_copy(feat_hbm.at[b], raw, sem)
    in_cp.start()
    lanes = lax.iota(jnp.int32, 16)
    zeros = jnp.zeros((16,), jnp.float32)

    def zero_row(c, carry):
        ct = c // 8
        ci = c % 8
        for k in (*range(7), *range(16, 24)):
            buf3[ct, ci, pl.ds(k * 16, 16)] = zeros
        return carry

    def t_zero_row(r, carry):
        for cc in range(C // 16):
            bufT[r, pl.ds(cc * 16, 16)] = zeros
        return carry

    lax.fori_loop(0, C, zero_row, 0)
    lax.fori_loop(0, 32, t_zero_row, 0)
    lax.fori_loop(160, TW, t_zero_row, 0)
    in_cp.wait()

    def t_data_row(r, carry):
        col_idx = jnp.full((16,), r - 32, jnp.int32)
        for cc in range(C // 16):
            bufT[r, pl.ds(cc * 16, 16)] = plsc.load_gather(
                raw, [cc * 16 + lanes, col_idx])
        return carry

    lax.fori_loop(32, 160, t_data_row, 0)

    def o64_copy(m):
        n = m * NRES + s
        return (bufT.at[pl.ds(n, 64), :], o64_hbm.at[b, n])

    def o256_copies(m):
        n = m * NRES + s
        c256 = pl.multiple_of(m * NRES, NRES)
        return (
            (buf3.at[:, :, pl.ds(c256, 128)], o256_hbm.at[b, n, :, 0]),
            (buf3.at[:, :, pl.ds(c256 + 128, 128)], o256_hbm.at[b, n, :, 1]),
        )

    def fire_o64(m, carry):
        src, dst = o64_copy(m)
        pltpu.async_copy(src, dst, sem)
        return carry

    lax.fori_loop(0, NCEN, fire_o64, 0)

    def gather_row(c, carry):
        ct = c // 8
        ci = c % 8
        row_idx = jnp.full((16,), c, jnp.int32)
        for k in (7, 15):
            col = lanes + (k * 16 + s - PAD)
            ok = (col >= 0) & (col < N)
            v = plsc.load_gather(raw, [row_idx, jnp.clip(col, 0, N - 1)])
            buf3[ct, ci, pl.ds(k * 16, 16)] = jnp.where(ok, v, 0.0)
        for k in range(8, 15):
            col = lanes + (k * 16 + s - PAD)
            buf3[ct, ci, pl.ds(k * 16, 16)] = plsc.load_gather(raw, [row_idx, col])
        return carry

    lax.fori_loop(0, C, gather_row, 0)

    def fire_o256(m, carry):
        for src, dst in o256_copies(m):
            pltpu.async_copy(src, dst, sem)
        return carry

    def drain(m, carry):
        src, dst = o64_copy(m)
        pltpu.make_async_copy(src, dst, sem).wait()
        for src, dst in o256_copies(m):
            pltpu.make_async_copy(src, dst, sem).wait()
        return carry

    lax.fori_loop(0, NCEN, fire_o256, 0)
    lax.fori_loop(0, NCEN, drain, 0)


def _tc_body(feat_ref, o128a_ref, o128b_ref, padded):
    nt = pl.program_id(1)

    @pl.when(nt == 0)
    def _():
        padded[...] = jnp.zeros((C, PW), jnp.float32)
        padded[:, PAD:PAD + N] = feat_ref[0]

    n0 = nt * CPB
    ji = lax.broadcasted_iota(jnp.int32, (C, 128), 1)
    for i in range(CPB):
        col0 = n0 + i + PAD - 64
        k0 = pl.multiple_of((col0 // 128) * 128, 128)
        r = col0 % 128
        lo = padded[:, pl.ds(k0, 128)]
        hi = padded[:, pl.ds(k0 + 128, 128)]
        win = jnp.where(ji < 128 - r,
                        pltpu.roll(lo, -r, 1), pltpu.roll(hi, -r, 1))
        blk = win.reshape(C // 8, 8, 128)
        o128a_ref[0, i] = blk
        o128b_ref[0, i] = blk


@jax.jit
def _run(feature_seq):
    sc_out_type = (
        jax.ShapeDtypeStruct((B, N, 64, 128), jnp.float32),
        jax.ShapeDtypeStruct((B, N, 16, 2, 8, 128), jnp.float32),
    )
    mesh = plsc.VectorSubcoreMesh(core_axis_name="c", subcore_axis_name="s")
    sc_f = pl.kernel(
        _sc_body,
        out_type=sc_out_type,
        mesh=mesh,
        scratch_types=[
            pltpu.VMEM((C, N), jnp.float32),
            pltpu.VMEM((C // 8, 8, PW), jnp.float32),
            pltpu.VMEM((TW, C), jnp.float32),
            pltpu.SemaphoreType.DMA,
        ],
        compiler_params=pltpu.CompilerParams(
            use_tc_tiling_on_sc=False, needs_layout_passes=False),
    )
    o64t, o256t = sc_f(feature_seq)

    o128_sds = jax.ShapeDtypeStruct((B, N, 16, 8, 128), jnp.float32)
    o128a, o128b = pl.pallas_call(
        _tc_body,
        grid=(B, NT),
        in_specs=[pl.BlockSpec((1, C, N), lambda b, nt: (b, 0, 0))],
        out_specs=(
            pl.BlockSpec((1, CPB, 16, 8, 128), lambda b, nt: (b, nt, 0, 0, 0)),
            pl.BlockSpec((1, CPB, 16, 8, 128), lambda b, nt: (b, nt, 0, 0, 0)),
        ),
        out_shape=(o128_sds, o128_sds),
        scratch_shapes=[pltpu.VMEM((C, PW), jnp.float32)],
    )(feature_seq)
    return o64t, o256t, o128a, o128b


def kernel(feature_seq):
    o64t, o256t, o128a, o128b = _run(feature_seq)
    o64 = jnp.transpose(o64t, (0, 1, 3, 2))
    o256 = jnp.transpose(o256t, (0, 1, 2, 4, 3, 5)).reshape(B, N, C, 256)
    return (o64, o256,
            o128a.reshape(B, N, C, 128), o128b.reshape(B, N, C, 128))

# --- scband reference (transcript-rebuilt; emitter-appended) ---
"""Pipeline reference for scband-multi-scale-window-generator-61091614819052 (READ-ONLY COPY).

The authoritative reference and input builder live on the scoring server;
editing this copy changes nothing except your own understanding.
"""

import math
import jax, jax.numpy as jnp
import numpy as np

SCALES = [0.25, 1.0]


def _window_lengths(N, scales):
    Ls = []
    for s in scales:
        Ls.append(int(math.floor(N * math.sqrt(s))))
        Ls.append(int(math.floor(N / math.sqrt(s))))
    return Ls


def setup_inputs(seed: int = 0) -> dict:
    key = jax.random.key(seed)
    feature_seq = jax.random.normal(key, (4, 128, 128), dtype=jnp.float32)
    return {"feature_seq": feature_seq}


def reference(feature_seq):
    B, C, N = feature_seq.shape
    outs = []
    for L in _window_lengths(N, SCALES):
        half = L // 2
        # pad left by half and right by (L - half); original index i lives at padded index i + half
        padded = jnp.pad(feature_seq, ((0, 0), (0, 0), (half, L - half)), mode="constant", constant_values=0.0)
        # window for center c, element j  ->  original index (c - half + j)  ->  padded index (c + j)
        idx = jnp.arange(N)[:, None] + jnp.arange(L)[None, :]  # (N, L)
        win = padded[:, :, idx]  # (B, C, N, L) via gather
        outs.append(jnp.transpose(win, (0, 2, 1, 3)))  # (B, N, C, L)
    return tuple(outs)

if __name__ == "__main__":
    import jax
    _d = setup_inputs()
    print(jax.jit(kernel)(*tuple(_d.values())))

</pallas_src>

<mosaic_0001>
#map = affine_map<(d0, d1) -> (0, 0, 0)>
#map1 = affine_map<(d0, d1) -> (0, 0, 0, 0)>
#map2 = affine_map<(d0, d1) -> (0, 0, 0, 0, 0, 0)>
module attributes {stable_mosaic.version = 14 : i64} {
  func.func @_sc_body(%arg0: i32, %arg1: i32, %arg2: memref<4x128x128xf32, #tpu.memory_space<hbm>>, %arg3: memref<4x128x64x128xf32, #tpu.memory_space<hbm>>, %arg4: memref<4x128x16x2x8x128xf32, #tpu.memory_space<hbm>>, %arg5: memref<128x128xf32, #tpu.memory_space<vmem>>, %arg6: memref<16x8x384xf32, #tpu.memory_space<vmem>>, %arg7: memref<192x128xf32, #tpu.memory_space<vmem>>, %arg8: memref<!tpu.dma_semaphore, #tpu.memory_space<semaphore_mem>>) attributes {dimension_semantics = [#tpu.dimension_semantics<core_parallel>, #tpu.dimension_semantics<subcore_parallel>], iteration_bounds = array<i64: 2, 16>, scalar_prefetch = 0 : i64, scratch_operands = 4 : i64, tpu.core_type = #tpu.core_type<sc_vector_subcore>, window_params = [{transform_indices = #map}, {transform_indices = #map1}, {transform_indices = #map2}]} {
    %mul3A = arith.constant 2 : i32
    %mul3A_0 = arith.muli %arg1, %mul3A : i32
    %add3A = arith.addi %mul3A_0, %arg0 : i32
    %jit3A = arith.constant 8 : i32
    %div3A = arith.divsi %add3A, %jit3A : i32
    %sign3A = arith.constant 0 : i32
    %sign3A_1 = arith.cmpi sgt, %add3A, %sign3A : i32
    %sign3A_2 = arith.extui %sign3A_1 : i1 to i32
    %sign3A_3 = arith.constant 0 : i32
    %sign3A_4 = arith.cmpi slt, %add3A, %sign3A_3 : i32
    %sign3A_5 = arith.extui %sign3A_4 : i1 to i32
    %sign3A_6 = arith.subi %sign3A_2, %sign3A_5 : i32
    %sign3A_7 = arith.constant 0 : i32
    %sign3A_8 = arith.cmpi sgt, %jit3A, %sign3A_7 : i32
    %sign3A_9 = arith.extui %sign3A_8 : i1 to i32
    %sign3A_10 = arith.constant 0 : i32
    %sign3A_11 = arith.cmpi slt, %jit3A, %sign3A_10 : i32
    %sign3A_12 = arith.extui %sign3A_11 : i1 to i32
    %sign3A_13 = arith.subi %sign3A_9, %sign3A_12 : i32
    %ne3A = arith.cmpi ne, %sign3A_6, %sign3A_13 : i32
    %rem3A = arith.remsi %add3A, %jit3A : i32
    %ne3A_14 = arith.constant 0 : i32
    %ne3A_15 = arith.cmpi ne, %rem3A, %ne3A_14 : i32
    %and3A = arith.andi %ne3A, %ne3A_15 : i1
    %sub3A = arith.constant 1 : i32
    %sub3A_16 = arith.subi %div3A, %sub3A : i32
    %select_n3A = arith.select %and3A, %sub3A_16, %div3A : i32
    %jit3A_17 = arith.constant 8 : i32
    %eq3A = arith.constant 0 : i32
    %eq3A_18 = arith.cmpi eq, %jit3A_17, %eq3A : i32
    %jit3A_19 = arith.constant 1 : i32
    %select_n3A_20 = arith.select %eq3A_18, %jit3A_19, %jit3A_17 : i32
    %rem3A_21 = arith.remsi %add3A, %select_n3A_20 : i32
    %ne3A_22 = arith.constant 0 : i32
    %ne3A_23 = arith.cmpi ne, %rem3A_21, %ne3A_22 : i32
    %lt3A = arith.constant 0 : i32
    %lt3A_24 = arith.cmpi slt, %rem3A_21, %lt3A : i32
    %lt3A_25 = arith.constant 0 : i32
    %lt3A_26 = arith.cmpi slt, %select_n3A_20, %lt3A_25 : i32
    %ne3A_27 = arith.xori %lt3A_24, %lt3A_26 : i1
    %and3A_28 = arith.andi %ne3A_27, %ne3A_23 : i1
    %add3A_29 = arith.addi %rem3A_21, %select_n3A_20 : i32
    %select_n3A_30 = arith.select %and3A_28, %add3A_29, %rem3A_21 : i32
    %dma_start3A = arith.constant 0 : i32
    %dma_start3A_31 = arith.constant 0 : i32
    %dma_start3A_32 = tpu.memref_slice %arg2[%select_n3A, %dma_start3A, %dma_start3A_31] : memref<4x128x128xf32, #tpu.memory_space<hbm>> -> memref<1x128x128xf32, #tpu.memory_space<hbm>>
    %dma_start3A_33 = tpu.memref_squeeze %dma_start3A_32 : memref<1x128x128xf32, #tpu.memory_space<hbm>> -> memref<128x128xf32, #tpu.memory_space<hbm>>
    %dma_start3A_34 = arith.constant 0 : i32
    %dma_start3A_35 = arith.constant 0 : i32
    %dma_start3A_36 = tpu.memref_slice %arg2[%select_n3A, %dma_start3A_34, %dma_start3A_35] : memref<4x128x128xf32, #tpu.memory_space<hbm>> -> memref<1x128x128xf32, #tpu.memory_space<hbm>>
    %dma_start3A_37 = tpu.memref_squeeze %dma_start3A_36 : memref<1x128x128xf32, #tpu.memory_space<hbm>> -> memref<128x128xf32, #tpu.memory_space<hbm>>
    tpu.enqueue_dma source(%dma_start3A_37 : memref<128x128xf32, #tpu.memory_space<hbm>>) target(%arg5 : memref<128x128xf32, #tpu.memory_space<vmem>>) target_semaphore(%arg8 : memref<!tpu.dma_semaphore, #tpu.memory_space<semaphore_mem>>)
    %iota3A = tpu.iota {dimensions = array<i32: 0>} : vector<16xi32>
    %broadcast_in_dim3A = arith.constant 0.000000e+00 : f32
    %broadcast_in_dim3A_38 = vector.broadcast %broadcast_in_dim3A : f32 to vector<16xf32>
    %scan3A = arith.constant 0 : i32
    %scan3A_39 = arith.constant 0 : i32
    %scan3A_40 = arith.constant 128 : i32
    %scan3A_41 = arith.addi %scan3A_39, %scan3A_40 : i32
    %scan3A_42 = arith.constant 1 : i32
    scf.for %scan3A_93 = %scan3A_39 to %scan3A_41 step %scan3A_42  : i32 {
      %jit3A_94 = arith.constant 8 : i32
      %div3A_95 = arith.divsi %scan3A_93, %jit3A_94 : i32
      %sign3A_96 = arith.constant 0 : i32
      %sign3A_97 = arith.cmpi sgt, %scan3A_93, %sign3A_96 : i32
      %sign3A_98 = arith.extui %sign3A_97 : i1 to i32
      %sign3A_99 = arith.constant 0 : i32
      %sign3A_100 = arith.cmpi slt, %scan3A_93, %sign3A_99 : i32
      %sign3A_101 = arith.extui %sign3A_100 : i1 to i32
      %sign3A_102 = arith.subi %sign3A_98, %sign3A_101 : i32
      %sign3A_103 = arith.constant 0 : i32
      %sign3A_104 = arith.cmpi sgt, %jit3A_94, %sign3A_103 : i32
      %sign3A_105 = arith.extui %sign3A_104 : i1 to i32
      %sign3A_106 = arith.constant 0 : i32
      %sign3A_107 = arith.cmpi slt, %jit3A_94, %sign3A_106 : i32
      %sign3A_108 = arith.extui %sign3A_107 : i1 to i32
      %sign3A_109 = arith.subi %sign3A_105, %sign3A_108 : i32
      %ne3A_110 = arith.cmpi ne, %sign3A_102, %sign3A_109 : i32
      %rem3A_111 = arith.remsi %scan3A_93, %jit3A_94 : i32
      %ne3A_112 = arith.constant 0 : i32
      %ne3A_113 = arith.cmpi ne, %rem3A_111, %ne3A_112 : i32
      %and3A_114 = arith.andi %ne3A_110, %ne3A_113 : i1
      %sub3A_115 = arith.constant 1 : i32
      %sub3A_116 = arith.subi %div3A_95, %sub3A_115 : i32
      %select_n3A_117 = arith.select %and3A_114, %sub3A_116, %div3A_95 : i32
      %jit3A_118 = arith.constant 8 : i32
      %eq3A_119 = arith.constant 0 : i32
      %eq3A_120 = arith.cmpi eq, %jit3A_118, %eq3A_119 : i32
      %jit3A_121 = arith.constant 1 : i32
      %select_n3A_122 = arith.select %eq3A_120, %jit3A_121, %jit3A_118 : i32
      %rem3A_123 = arith.remsi %scan3A_93, %select_n3A_122 : i32
      %ne3A_124 = arith.constant 0 : i32
      %ne3A_125 = arith.cmpi ne, %rem3A_123, %ne3A_124 : i32
      %lt3A_126 = arith.constant 0 : i32
      %lt3A_127 = arith.cmpi slt, %rem3A_123, %lt3A_126 : i32
      %lt3A_128 = arith.constant 0 : i32
      %lt3A_129 = arith.cmpi slt, %select_n3A_122, %lt3A_128 : i32
      %ne3A_130 = arith.xori %lt3A_127, %lt3A_129 : i1
      %and3A_131 = arith.andi %ne3A_130, %ne3A_125 : i1
      %add3A_132 = arith.addi %rem3A_123, %select_n3A_122 : i32
      %select_n3A_133 = arith.select %and3A_131, %add3A_132, %rem3A_123 : i32
      %swap3A = arith.index_cast %select_n3A_117 : i32 to index
      %swap3A_134 = arith.index_cast %select_n3A_133 : i32 to index
      %swap3A_135 = arith.constant 0 : index
      %swap3A_136 = tpu.vector_load %arg6[%swap3A, %swap3A_134, %swap3A_135] {strides = array<i32>} : memref<16x8x384xf32, #tpu.memory_space<vmem>>, vector<16xf32>,
      tpu.vector_store %arg6[%swap3A, %swap3A_134, %swap3A_135], %broadcast_in_dim3A_38 {strides = array<i32>} : memref<16x8x384xf32, #tpu.memory_space<vmem>>, vector<16xf32>,
      %swap3A_137 = arith.index_cast %select_n3A_117 : i32 to index
      %swap3A_138 = arith.index_cast %select_n3A_133 : i32 to index
      %swap3A_139 = arith.constant 16 : index
      %swap3A_140 = tpu.vector_load %arg6[%swap3A_137, %swap3A_138, %swap3A_139] {strides = array<i32>} : memref<16x8x384xf32, #tpu.memory_space<vmem>>, vector<16xf32>,
      tpu.vector_store %arg6[%swap3A_137, %swap3A_138, %swap3A_139], %broadcast_in_dim3A_38 {strides = array<i32>} : memref<16x8x384xf32, #tpu.memory_space<vmem>>, vector<16xf32>,
      %swap3A_141 = arith.index_cast %select_n3A_117 : i32 to index
      %swap3A_142 = arith.index_cast %select_n3A_133 : i32 to index
      %swap3A_143 = arith.constant 32 : index
      %swap3A_144 = tpu.vector_load %arg6[%swap3A_141, %swap3A_142, %swap3A_143] {strides = array<i32>} : memref<16x8x384xf32, #tpu.memory_space<vmem>>, vector<16xf32>,
      tpu.vector_store %arg6[%swap3A_141, %swap3A_142, %swap3A_143], %broadcast_in_dim3A_38 {strides = array<i32>} : memref<16x8x384xf32, #tpu.memory_space<vmem>>, vector<16xf32>,
      %swap3A_145 = arith.index_cast %select_n3A_117 : i32 to index
      %swap3A_146 = arith.index_cast %select_n3A_133 : i32 to index
      %swap3A_147 = arith.constant 48 : index
      %swap3A_148 = tpu.vector_load %arg6[%swap3A_145, %swap3A_146, %swap3A_147] {strides = array<i32>} : memref<16x8x384xf32, #tpu.memory_space<vmem>>, vector<16xf32>,
      tpu.vector_store %arg6[%swap3A_145, %swap3A_146, %swap3A_147], %broadcast_in_dim3A_38 {strides = array<i32>} : memref<16x8x384xf32, #tpu.memory_space<vmem>>, vector<16xf32>,
      %swap3A_149 = arith.index_cast %select_n3A_117 : i32 to index
      %swap3A_150 = arith.index_cast %select_n3A_133 : i32 to index
      %swap3A_151 = arith.constant 64 : index
      %swap3A_152 = tpu.vector_load %arg6[%swap3A_149, %swap3A_150, %swap3A_151] {strides = array<i32>} : memref<16x8x384xf32, #tpu.memory_space<vmem>>, vector<16xf32>,
      tpu.vector_store %arg6[%swap3A_149, %swap3A_150, %swap3A_151], %broadcast_in_dim3A_38 {strides = array<i32>} : memref<16x8x384xf32, #tpu.memory_space<vmem>>, vector<16xf32>,
      %swap3A_153 = arith.index_cast %select_n3A_117 : i32 to index
      %swap3A_154 = arith.index_cast %select_n3A_133 : i32 to index
      %swap3A_155 = arith.constant 80 : index
      %swap3A_156 = tpu.vector_load %arg6[%swap3A_153, %swap3A_154, %swap3A_155] {strides = array<i32>} : memref<16x8x384xf32, #tpu.memory_space<vmem>>, vector<16xf32>,
      tpu.vector_store %arg6[%swap3A_153, %swap3A_154, %swap3A_155], %broadcast_in_dim3A_38 {strides = array<i32>} : memref<16x8x384xf32, #tpu.memory_space<vmem>>, vector<16xf32>,
      %swap3A_157 = arith.index_cast %select_n3A_117 : i32 to index
      %swap3A_158 = arith.index_cast %select_n3A_133 : i32 to index
      %swap3A_159 = arith.constant 96 : index
      %swap3A_160 = tpu.vector_load %arg6[%swap3A_157, %swap3A_158, %swap3A_159] {strides = array<i32>} : memref<16x8x384xf32, #tpu.memory_space<vmem>>, vector<16xf32>,
      tpu.vector_store %arg6[%swap3A_157, %swap3A_158, %swap3A_159], %broadcast_in_dim3A_38 {strides = array<i32>} : memref<16x8x384xf32, #tpu.memory_space<vmem>>, vector<16xf32>,
      %swap3A_161 = arith.index_cast %select_n3A_117 : i32 to index
      %swap3A_162 = arith.index_cast %select_n3A_133 : i32 to index
      %swap3A_163 = arith.constant 256 : index
      %swap3A_164 = tpu.vector_load %arg6[%swap3A_161, %swap3A_162, %swap3A_163] {strides = array<i32>} : memref<16x8x384xf32, #tpu.memory_space<vmem>>, vector<16xf32>,
      tpu.vector_store %arg6[%swap3A_161, %swap3A_162, %swap3A_163], %broadcast_in_dim3A_38 {strides = array<i32>} : memref<16x8x384xf32, #tpu.memory_space<vmem>>, vector<16xf32>,
      %swap3A_165 = arith.index_cast %select_n3A_117 : i32 to index
      %swap3A_166 = arith.index_cast %select_n3A_133 : i32 to index
      %swap3A_167 = arith.constant 272 : index
      %swap3A_168 = tpu.vector_load %arg6[%swap3A_165, %swap3A_166, %swap3A_167] {strides = array<i32>} : memref<16x8x384xf32, #tpu.memory_space<vmem>>, vector<16xf32>,
      tpu.vector_store %arg6[%swap3A_165, %swap3A_166, %swap3A_167], %broadcast_in_dim3A_38 {strides = array<i32>} : memref<16x8x384xf32, #tpu.memory_space<vmem>>, vector<16xf32>,
      %swap3A_169 = arith.index_cast %select_n3A_117 : i32 to index
      %swap3A_170 = arith.index_cast %select_n3A_133 : i32 to index
      %swap3A_171 = arith.constant 288 : index
      %swap3A_172 = tpu.vector_load %arg6[%swap3A_169, %swap3A_170, %swap3A_171] {strides = array<i32>} : memref<16x8x384xf32, #tpu.memory_space<vmem>>, vector<16xf32>,
      tpu.vector_store %arg6[%swap3A_169, %swap3A_170, %swap3A_171], %broadcast_in_dim3A_38 {strides = array<i32>} : memref<16x8x384xf32, #tpu.memory_space<vmem>>, vector<16xf32>,
      %swap3A_173 = arith.index_cast %select_n3A_117 : i32 to index
      %swap3A_174 = arith.index_cast %select_n3A_133 : i32 to index
      %swap3A_175 = arith.constant 304 : index
      %swap3A_176 = tpu.vector_load %arg6[%swap3A_173, %swap3A_174, %swap3A_175] {strides = array<i32>} : memref<16x8x384xf32, #tpu.memory_space<vmem>>, vector<16xf32>,
      tpu.vector_store %arg6[%swap3A_173, %swap3A_174, %swap3A_175], %broadcast_in_dim3A_38 {strides = array<i32>} : memref<16x8x384xf32, #tpu.memory_space<vmem>>, vector<16xf32>,
      %swap3A_177 = arith.index_cast %select_n3A_117 : i32 to index
      %swap3A_178 = arith.index_cast %select_n3A_133 : i32 to index
      %swap3A_179 = arith.constant 320 : index
      %swap3A_180 = tpu.vector_load %arg6[%swap3A_177, %swap3A_178, %swap3A_179] {strides = array<i32>} : memref<16x8x384xf32, #tpu.memory_space<vmem>>, vector<16xf32>,
      tpu.vector_store %arg6[%swap3A_177, %swap3A_178, %swap3A_179], %broadcast_in_dim3A_38 {strides = array<i32>} : memref<16x8x384xf32, #tpu.memory_space<vmem>>, vector<16xf32>,
      %swap3A_181 = arith.index_cast %select_n3A_117 : i32 to index
      %swap3A_182 = arith.index_cast %select_n3A_133 : i32 to index
      %swap3A_183 = arith.constant 336 : index
      %swap3A_184 = tpu.vector_load %arg6[%swap3A_181, %swap3A_182, %swap3A_183] {strides = array<i32>} : memref<16x8x384xf32, #tpu.memory_space<vmem>>, vector<16xf32>,
      tpu.vector_store %arg6[%swap3A_181, %swap3A_182, %swap3A_183], %broadcast_in_dim3A_38 {strides = array<i32>} : memref<16x8x384xf32, #tpu.memory_space<vmem>>, vector<16xf32>,
      %swap3A_185 = arith.index_cast %select_n3A_117 : i32 to index
      %swap3A_186 = arith.index_cast %select_n3A_133 : i32 to index
      %swap3A_187 = arith.constant 352 : index
      %swap3A_188 = tpu.vector_load %arg6[%swap3A_185, %swap3A_186, %swap3A_187] {strides = array<i32>} : memref<16x8x384xf32, #tpu.memory_space<vmem>>, vector<16xf32>,
      tpu.vector_store %arg6[%swap3A_185, %swap3A_186, %swap3A_187], %broadcast_in_dim3A_38 {strides = array<i32>} : memref<16x8x384xf32, #tpu.memory_space<vmem>>, vector<16xf32>,
      %swap3A_189 = arith.index_cast %select_n3A_117 : i32 to index
      %swap3A_190 = arith.index_cast %select_n3A_133 : i32 to index
      %swap3A_191 = arith.constant 368 : index
      %swap3A_192 = tpu.vector_load %arg6[%swap3A_189, %swap3A_190, %swap3A_191] {strides = array<i32>} : memref<16x8x384xf32, #tpu.memory_space<vmem>>, vector<16xf32>,
      tpu.vector_store %arg6[%swap3A_189, %swap3A_190, %swap3A_191], %broadcast_in_dim3A_38 {strides = array<i32>} : memref<16x8x384xf32, #tpu.memory_space<vmem>>, vector<16xf32>,
    }
    %scan3A_43 = arith.constant 128 : i32
    %scan3A_44 = arith.constant 0 : i32
    %scan3A_45 = arith.constant 0 : i32
    %scan3A_46 = arith.constant 32 : i32
    %scan3A_47 = arith.addi %scan3A_45, %scan3A_46 : i32
    %scan3A_48 = arith.constant 1 : i32
    scf.for %scan3A_93 = %scan3A_45 to %scan3A_47 step %scan3A_48  : i32 {
      %swap3A = arith.index_cast %scan3A_93 : i32 to index
      %swap3A_94 = arith.constant 0 : index
      %swap3A_95 = tpu.vector_load %arg7[%swap3A, %swap3A_94] {strides = array<i32>} : memref<192x128xf32, #tpu.memory_space<vmem>>, vector<16xf32>,
      tpu.vector_store %arg7[%swap3A, %swap3A_94], %broadcast_in_dim3A_38 {strides = array<i32>} : memref<192x128xf32, #tpu.memory_space<vmem>>, vector<16xf32>,
      %swap3A_96 = arith.index_cast %scan3A_93 : i32 to index
      %swap3A_97 = arith.constant 16 : index
      %swap3A_98 = tpu.vector_load %arg7[%swap3A_96, %swap3A_97] {strides = array<i32>} : memref<192x128xf32, #tpu.memory_space<vmem>>, vector<16xf32>,
      tpu.vector_store %arg7[%swap3A_96, %swap3A_97], %broadcast_in_dim3A_38 {strides = array<i32>} : memref<192x128xf32, #tpu.memory_space<vmem>>, vector<16xf32>,
      %swap3A_99 = arith.index_cast %scan3A_93 : i32 to index
      %swap3A_100 = arith.constant 32 : index
      %swap3A_101 = tpu.vector_load %arg7[%swap3A_99, %swap3A_100] {strides = array<i32>} : memref<192x128xf32, #tpu.memory_space<vmem>>, vector<16xf32>,
      tpu.vector_store %arg7[%swap3A_99, %swap3A_100], %broadcast_in_dim3A_38 {strides = array<i32>} : memref<192x128xf32, #tpu.memory_space<vmem>>, vector<16xf32>,
      %swap3A_102 = arith.index_cast %scan3A_93 : i32 to index
      %swap3A_103 = arith.constant 48 : index
      %swap3A_104 = tpu.vector_load %arg7[%swap3A_102, %swap3A_103] {strides = array<i32>} : memref<192x128xf32, #tpu.memory_space<vmem>>, vector<16xf32>,
      tpu.vector_store %arg7[%swap3A_102, %swap3A_103], %broadcast_in_dim3A_38 {strides = array<i32>} : memref<192x128xf32, #tpu.memory_space<vmem>>, vector<16xf32>,
      %swap3A_105 = arith.index_cast %scan3A_93 : i32 to index
      %swap3A_106 = arith.constant 64 : index
      %swap3A_107 = tpu.vector_load %arg7[%swap3A_105, %swap3A_106] {strides = array<i32>} : memref<192x128xf32, #tpu.memory_space<vmem>>, vector<16xf32>,
      tpu.vector_store %arg7[%swap3A_105, %swap3A_106], %broadcast_in_dim3A_38 {strides = array<i32>} : memref<192x128xf32, #tpu.memory_space<vmem>>, vector<16xf32>,
      %swap3A_108 = arith.index_cast %scan3A_93 : i32 to index
      %swap3A_109 = arith.constant 80 : index
      %swap3A_110 = tpu.vector_load %arg7[%swap3A_108, %swap3A_109] {strides = array<i32>} : memref<192x128xf32, #tpu.memory_space<vmem>>, vector<16xf32>,
      tpu.vector_store %arg7[%swap3A_108, %swap3A_109], %broadcast_in_dim3A_38 {strides = array<i32>} : memref<192x128xf32, #tpu.memory_space<vmem>>, vector<16xf32>,
      %swap3A_111 = arith.index_cast %scan3A_93 : i32 to index
      %swap3A_112 = arith.constant 96 : index
      %swap3A_113 = tpu.vector_load %arg7[%swap3A_111, %swap3A_112] {strides = array<i32>} : memref<192x128xf32, #tpu.memory_space<vmem>>, vector<16xf32>,
      tpu.vector_store %arg7[%swap3A_111, %swap3A_112], %broadcast_in_dim3A_38 {strides = array<i32>} : memref<192x128xf32, #tpu.memory_space<vmem>>, vector<16xf32>,
      %swap3A_114 = arith.index_cast %scan3A_93 : i32 to index
      %swap3A_115 = arith.constant 112 : index
      %swap3A_116 = tpu.vector_load %arg7[%swap3A_114, %swap3A_115] {strides = array<i32>} : memref<192x128xf32, #tpu.memory_space<vmem>>, vector<16xf32>,
      tpu.vector_store %arg7[%swap3A_114, %swap3A_115], %broadcast_in_dim3A_38 {strides = array<i32>} : memref<192x128xf32, #tpu.memory_space<vmem>>, vector<16xf32>,
    }
    %scan3A_49 = arith.constant 32 : i32
    %scan3A_50 = arith.constant 0 : i32
    %scan3A_51 = arith.constant 160 : i32
    %scan3A_52 = arith.constant 32 : i32
    %scan3A_53 = arith.addi %scan3A_51, %scan3A_52 : i32
    %scan3A_54 = arith.constant 1 : i32
    scf.for %scan3A_93 = %scan3A_51 to %scan3A_53 step %scan3A_54  : i32 {
      %swap3A = arith.index_cast %scan3A_93 : i32 to index
      %swap3A_94 = arith.constant 0 : index
      %swap3A_95 = tpu.vector_load %arg7[%swap3A, %swap3A_94] {strides = array<i32>} : memref<192x128xf32, #tpu.memory_space<vmem>>, vector<16xf32>,
      tpu.vector_store %arg7[%swap3A, %swap3A_94], %broadcast_in_dim3A_38 {strides = array<i32>} : memref<192x128xf32, #tpu.memory_space<vmem>>, vector<16xf32>,
      %swap3A_96 = arith.index_cast %scan3A_93 : i32 to index
      %swap3A_97 = arith.constant 16 : index
      %swap3A_98 = tpu.vector_load %arg7[%swap3A_96, %swap3A_97] {strides = array<i32>} : memref<192x128xf32, #tpu.memory_space<vmem>>, vector<16xf32>,
      tpu.vector_store %arg7[%swap3A_96, %swap3A_97], %broadcast_in_dim3A_38 {strides = array<i32>} : memref<192x128xf32, #tpu.memory_space<vmem>>, vector<16xf32>,
      %swap3A_99 = arith.index_cast %scan3A_93 : i32 to index
      %swap3A_100 = arith.constant 32 : index
      %swap3A_101 = tpu.vector_load %arg7[%swap3A_99, %swap3A_100] {strides = array<i32>} : memref<192x128xf32, #tpu.memory_space<vmem>>, vector<16xf32>,
      tpu.vector_store %arg7[%swap3A_99, %swap3A_100], %broadcast_in_dim3A_38 {strides = array<i32>} : memref<192x128xf32, #tpu.memory_space<vmem>>, vector<16xf32>,
      %swap3A_102 = arith.index_cast %scan3A_93 : i32 to index
      %swap3A_103 = arith.constant 48 : index
      %swap3A_104 = tpu.vector_load %arg7[%swap3A_102, %swap3A_103] {strides = array<i32>} : memref<192x128xf32, #tpu.memory_space<vmem>>, vector<16xf32>,
      tpu.vector_store %arg7[%swap3A_102, %swap3A_103], %broadcast_in_dim3A_38 {strides = array<i32>} : memref<192x128xf32, #tpu.memory_space<vmem>>, vector<16xf32>,
      %swap3A_105 = arith.index_cast %scan3A_93 : i32 to index
      %swap3A_106 = arith.constant 64 : index
      %swap3A_107 = tpu.vector_load %arg7[%swap3A_105, %swap3A_106] {strides = array<i32>} : memref<192x128xf32, #tpu.memory_space<vmem>>, vector<16xf32>,
      tpu.vector_store %arg7[%swap3A_105, %swap3A_106], %broadcast_in_dim3A_38 {strides = array<i32>} : memref<192x128xf32, #tpu.memory_space<vmem>>, vector<16xf32>,
      %swap3A_108 = arith.index_cast %scan3A_93 : i32 to index
      %swap3A_109 = arith.constant 80 : index
      %swap3A_110 = tpu.vector_load %arg7[%swap3A_108, %swap3A_109] {strides = array<i32>} : memref<192x128xf32, #tpu.memory_space<vmem>>, vector<16xf32>,
      tpu.vector_store %arg7[%swap3A_108, %swap3A_109], %broadcast_in_dim3A_38 {strides = array<i32>} : memref<192x128xf32, #tpu.memory_space<vmem>>, vector<16xf32>,
      %swap3A_111 = arith.index_cast %scan3A_93 : i32 to index
      %swap3A_112 = arith.constant 96 : index
      %swap3A_113 = tpu.vector_load %arg7[%swap3A_111, %swap3A_112] {strides = array<i32>} : memref<192x128xf32, #tpu.memory_space<vmem>>, vector<16xf32>,
      tpu.vector_store %arg7[%swap3A_111, %swap3A_112], %broadcast_in_dim3A_38 {strides = array<i32>} : memref<192x128xf32, #tpu.memory_space<vmem>>, vector<16xf32>,
      %swap3A_114 = arith.index_cast %scan3A_93 : i32 to index
      %swap3A_115 = arith.constant 112 : index
      %swap3A_116 = tpu.vector_load %arg7[%swap3A_114, %swap3A_115] {strides = array<i32>} : memref<192x128xf32, #tpu.memory_space<vmem>>, vector<16xf32>,
      tpu.vector_store %arg7[%swap3A_114, %swap3A_115], %broadcast_in_dim3A_38 {strides = array<i32>} : memref<192x128xf32, #tpu.memory_space<vmem>>, vector<16xf32>,
    }
    %scan3A_55 = arith.constant 32 : i32
    %dma_wait3A = arith.constant 0 : i32
    %dma_wait3A_56 = arith.constant 0 : i32
    %dma_wait3A_57 = tpu.memref_slice %arg2[%select_n3A, %dma_wait3A, %dma_wait3A_56] : memref<4x128x128xf32, #tpu.memory_space<hbm>> -> memref<1x128x128xf32, #tpu.memory_space<hbm>>
    %dma_wait3A_58 = tpu.memref_squeeze %dma_wait3A_57 : memref<1x128x128xf32, #tpu.memory_space<hbm>> -> memref<128x128xf32, #tpu.memory_space<hbm>>
    %dma_wait3A_59 = arith.constant 0 : i32
    %dma_wait3A_60 = arith.constant 0 : i32
    %dma_wait3A_61 = tpu.memref_slice %arg2[%select_n3A, %dma_wait3A_59, %dma_wait3A_60] : memref<4x128x128xf32, #tpu.memory_space<hbm>> -> memref<1x128x128xf32, #tpu.memory_space<hbm>>
    %dma_wait3A_62 = tpu.memref_squeeze %dma_wait3A_61 : memref<1x128x128xf32, #tpu.memory_space<hbm>> -> memref<128x128xf32, #tpu.memory_space<hbm>>
    tpu.wait_dma2 semaphore(%arg8 : memref<!tpu.dma_semaphore, #tpu.memory_space<semaphore_mem>>) src(%dma_wait3A_62 : memref<128x128xf32, #tpu.memory_space<hbm>>) dst(%arg5 : memref<128x128xf32, #tpu.memory_space<vmem>>)
    %scan3A_63 = arith.constant 0 : i32
    %scan3A_64 = arith.constant 32 : i32
    %scan3A_65 = arith.constant 128 : i32
    %scan3A_66 = arith.addi %scan3A_64, %scan3A_65 : i32
    %scan3A_67 = arith.constant 1 : i32
    scf.for %scan3A_93 = %scan3A_64 to %scan3A_66 step %scan3A_67  : i32 {
      %sub3A_94 = arith.constant 32 : i32
      %sub3A_95 = arith.subi %scan3A_93, %sub3A_94 : i32
      %broadcast_in_dim3A_96 = vector.broadcast %sub3A_95 : i32 to vector<16xi32>
      %add3A_97 = arith.constant 0 : i32
      %add3A_98 = vector.broadcast %add3A_97 : i32 to vector<16xi32>
      %add3A_99 = arith.addi %add3A_98, %iota3A : vector<16xi32>
      %gather3A = tpu.vector_load_idx %arg5[%add3A_99, %broadcast_in_dim3A_96] : memref<128x128xf32, #tpu.memory_space<vmem>>[vector<16xi32>, vector<16xi32>], vector<16xf32>,
      %swap3A = arith.index_cast %scan3A_93 : i32 to index
      %swap3A_100 = arith.constant 0 : index
      %swap3A_101 = tpu.vector_load %arg7[%swap3A, %swap3A_100] {strides = array<i32>} : memref<192x128xf32, #tpu.memory_space<vmem>>, vector<16xf32>,
      tpu.vector_store %arg7[%swap3A, %swap3A_100], %gather3A {strides = array<i32>} : memref<192x128xf32, #tpu.memory_space<vmem>>, vector<16xf32>,
      %add3A_102 = arith.constant 16 : i32
      %add3A_103 = vector.broadcast %add3A_102 : i32 to vector<16xi32>
      %add3A_104 = arith.addi %add3A_103, %iota3A : vector<16xi32>
      %gather3A_105 = tpu.vector_load_idx %arg5[%add3A_104, %broadcast_in_dim3A_96] : memref<128x128xf32, #tpu.memory_space<vmem>>[vector<16xi32>, vector<16xi32>], vector<16xf32>,
      %swap3A_106 = arith.index_cast %scan3A_93 : i32 to index
      %swap3A_107 = arith.constant 16 : index
      %swap3A_108 = tpu.vector_load %arg7[%swap3A_106, %swap3A_107] {strides = array<i32>} : memref<192x128xf32, #tpu.memory_space<vmem>>, vector<16xf32>,
      tpu.vector_store %arg7[%swap3A_106, %swap3A_107], %gather3A_105 {strides = array<i32>} : memref<192x128xf32, #tpu.memory_space<vmem>>, vector<16xf32>,
      %add3A_109 = arith.constant 32 : i32
      %add3A_110 = vector.broadcast %add3A_109 : i32 to vector<16xi32>
      %add3A_111 = arith.addi %add3A_110, %iota3A : vector<16xi32>
      %gather3A_112 = tpu.vector_load_idx %arg5[%add3A_111, %broadcast_in_dim3A_96] : memref<128x128xf32, #tpu.memory_space<vmem>>[vector<16xi32>, vector<16xi32>], vector<16xf32>,
      %swap3A_113 = arith.index_cast %scan3A_93 : i32 to index
      %swap3A_114 = arith.constant 32 : index
      %swap3A_115 = tpu.vector_load %arg7[%swap3A_113, %swap3A_114] {strides = array<i32>} : memref<192x128xf32, #tpu.memory_space<vmem>>, vector<16xf32>,
      tpu.vector_store %arg7[%swap3A_113, %swap3A_114], %gather3A_112 {strides = array<i32>} : memref<192x128xf32, #tpu.memory_space<vmem>>, vector<16xf32>,
      %add3A_116 = arith.constant 48 : i32
      %add3A_117 = vector.broadcast %add3A_116 : i32 to vector<16xi32>
      %add3A_118 = arith.addi %add3A_117, %iota3A : vector<16xi32>
      %gather3A_119 = tpu.vector_load_idx %arg5[%add3A_118, %broadcast_in_dim3A_96] : memref<128x128xf32, #tpu.memory_space<vmem>>[vector<16xi32>, vector<16xi32>], vector<16xf32>,
      %swap3A_120 = arith.index_cast %scan3A_93 : i32 to index
      %swap3A_121 = arith.constant 48 : index
      %swap3A_122 = tpu.vector_load %arg7[%swap3A_120, %swap3A_121] {strides = array<i32>} : memref<192x128xf32, #tpu.memory_space<vmem>>, vector<16xf32>,
      tpu.vector_store %arg7[%swap3A_120, %swap3A_121], %gather3A_119 {strides = array<i32>} : memref<192x128xf32, #tpu.memory_space<vmem>>, vector<16xf32>,
      %add3A_123 = arith.constant 64 : i32
      %add3A_124 = vector.broadcast %add3A_123 : i32 to vector<16xi32>
      %add3A_125 = arith.addi %add3A_124, %iota3A : vector<16xi32>
      %gather3A_126 = tpu.vector_load_idx %arg5[%add3A_125, %broadcast_in_dim3A_96] : memref<128x128xf32, #tpu.memory_space<vmem>>[vector<16xi32>, vector<16xi32>], vector<16xf32>,
      %swap3A_127 = arith.index_cast %scan3A_93 : i32 to index
      %swap3A_128 = arith.constant 64 : index
      %swap3A_129 = tpu.vector_load %arg7[%swap3A_127, %swap3A_128] {strides = array<i32>} : memref<192x128xf32, #tpu.memory_space<vmem>>, vector<16xf32>,
      tpu.vector_store %arg7[%swap3A_127, %swap3A_128], %gather3A_126 {strides = array<i32>} : memref<192x128xf32, #tpu.memory_space<vmem>>, vector<16xf32>,
      %add3A_130 = arith.constant 80 : i32
      %add3A_131 = vector.broadcast %add3A_130 : i32 to vector<16xi32>
      %add3A_132 = arith.addi %add3A_131, %iota3A : vector<16xi32>
      %gather3A_133 = tpu.vector_load_idx %arg5[%add3A_132, %broadcast_in_dim3A_96] : memref<128x128xf32, #tpu.memory_space<vmem>>[vector<16xi32>, vector<16xi32>], vector<16xf32>,
      %swap3A_134 = arith.index_cast %scan3A_93 : i32 to index
      %swap3A_135 = arith.constant 80 : index
      %swap3A_136 = tpu.vector_load %arg7[%swap3A_134, %swap3A_135] {strides = array<i32>} : memref<192x128xf32, #tpu.memory_space<vmem>>, vector<16xf32>,
      tpu.vector_store %arg7[%swap3A_134, %swap3A_135], %gather3A_133 {strides = array<i32>} : memref<192x128xf32, #tpu.memory_space<vmem>>, vector<16xf32>,
      %add3A_137 = arith.constant 96 : i32
      %add3A_138 = vector.broadcast %add3A_137 : i32 to vector<16xi32>
      %add3A_139 = arith.addi %add3A_138, %iota3A : vector<16xi32>
      %gather3A_140 = tpu.vector_load_idx %arg5[%add3A_139, %broadcast_in_dim3A_96] : memref<128x128xf32, #tpu.memory_space<vmem>>[vector<16xi32>, vector<16xi32>], vector<16xf32>,
      %swap3A_141 = arith.index_cast %scan3A_93 : i32 to index
      %swap3A_142 = arith.constant 96 : index
      %swap3A_143 = tpu.vector_load %arg7[%swap3A_141, %swap3A_142] {strides = array<i32>} : memref<192x128xf32, #tpu.memory_space<vmem>>, vector<16xf32>,
      tpu.vector_store %arg7[%swap3A_141, %swap3A_142], %gather3A_140 {strides = array<i32>} : memref<192x128xf32, #tpu.memory_space<vmem>>, vector<16xf32>,
      %add3A_144 = arith.constant 112 : i32
      %add3A_145 = vector.broadcast %add3A_144 : i32 to vector<16xi32>
      %add3A_146 = arith.addi %add3A_145, %iota3A : vector<16xi32>
      %gather3A_147 = tpu.vector_load_idx %arg5[%add3A_146, %broadcast_in_dim3A_96] : memref<128x128xf32, #tpu.memory_space<vmem>>[vector<16xi32>, vector<16xi32>], vector<16xf32>,
      %swap3A_148 = arith.index_cast %scan3A_93 : i32 to index
      %swap3A_149 = arith.constant 112 : index
      %swap3A_150 = tpu.vector_load %arg7[%swap3A_148, %swap3A_149] {strides = array<i32>} : memref<192x128xf32, #tpu.memory_space<vmem>>, vector<16xf32>,
      tpu.vector_store %arg7[%swap3A_148, %swap3A_149], %gather3A_147 {strides = array<i32>} : memref<192x128xf32, #tpu.memory_space<vmem>>, vector<16xf32>,
    }
    %scan3A_68 = arith.constant 128 : i32
    %scan3A_69 = arith.constant 0 : i32
    %scan3A_70 = arith.constant 0 : i32
    %scan3A_71 = arith.constant 16 : i32
    %scan3A_72 = arith.addi %scan3A_70, %scan3A_71 : i32
    %scan3A_73 = arith.constant 1 : i32
    scf.for %scan3A_93 = %scan3A_70 to %scan3A_72 step %scan3A_73  : i32 {
      %mul3A_94 = arith.constant 8 : i32
      %mul3A_95 = arith.muli %scan3A_93, %mul3A_94 : i32
      %add3A_96 = arith.addi %mul3A_95, %select_n3A_30 : i32
      %dma_start3A_97 = arith.constant 0 : i32
      %dma_start3A_98 = tpu.memref_slice %arg7[%add3A_96, %dma_start3A_97] : memref<192x128xf32, #tpu.memory_space<vmem>> -> memref<64x128xf32, #tpu.memory_space<vmem>>
      %dma_start3A_99 = arith.constant 0 : i32
      %dma_start3A_100 = arith.constant 0 : i32
      %dma_start3A_101 = tpu.memref_slice %arg3[%select_n3A, %add3A_96, %dma_start3A_99, %dma_start3A_100] : memref<4x128x64x128xf32, #tpu.memory_space<hbm>> -> memref<1x1x64x128xf32, #tpu.memory_space<hbm>>
      %dma_start3A_102 = tpu.memref_squeeze %dma_start3A_101 : memref<1x1x64x128xf32, #tpu.memory_space<hbm>> -> memref<64x128xf32, #tpu.memory_space<hbm>>
      %dma_start3A_103 = arith.constant 0 : i32
      %dma_start3A_104 = arith.constant 0 : i32
      %dma_start3A_105 = tpu.memref_slice %arg3[%select_n3A, %add3A_96, %dma_start3A_103, %dma_start3A_104] : memref<4x128x64x128xf32, #tpu.memory_space<hbm>> -> memref<1x1x64x128xf32, #tpu.memory_space<hbm>>
      %dma_start3A_106 = tpu.memref_squeeze %dma_start3A_105 : memref<1x1x64x128xf32, #tpu.memory_space<hbm>> -> memref<64x128xf32, #tpu.memory_space<hbm>>
      %dma_start3A_107 = arith.constant 0 : i32
      %dma_start3A_108 = tpu.memref_slice %arg7[%add3A_96, %dma_start3A_107] : memref<192x128xf32, #tpu.memory_space<vmem>> -> memref<64x128xf32, #tpu.memory_space<vmem>>
      tpu.enqueue_dma source(%dma_start3A_108 : memref<64x128xf32, #tpu.memory_space<vmem>>) target(%dma_start3A_106 : memref<64x128xf32, #tpu.memory_space<hbm>>) target_semaphore(%arg8 : memref<!tpu.dma_semaphore, #tpu.memory_space<semaphore_mem>>)
    }
    %scan3A_74 = arith.constant 16 : i32
    %scan3A_75 = arith.constant 0 : i32
    %scan3A_76 = arith.constant 0 : i32
    %scan3A_77 = arith.constant 128 : i32
    %scan3A_78 = arith.addi %scan3A_76, %scan3A_77 : i32
    %scan3A_79 = arith.constant 1 : i32
    scf.for %scan3A_93 = %scan3A_76 to %scan3A_78 step %scan3A_79  : i32 {
      %jit3A_94 = arith.constant 8 : i32
      %div3A_95 = arith.divsi %scan3A_93, %jit3A_94 : i32
      %sign3A_96 = arith.constant 0 : i32
      %sign3A_97 = arith.cmpi sgt, %scan3A_93, %sign3A_96 : i32
      %sign3A_98 = arith.extui %sign3A_97 : i1 to i32
      %sign3A_99 = arith.constant 0 : i32
      %sign3A_100 = arith.cmpi slt, %scan3A_93, %sign3A_99 : i32
      %sign3A_101 = arith.extui %sign3A_100 : i1 to i32
      %sign3A_102 = arith.subi %sign3A_98, %sign3A_101 : i32
      %sign3A_103 = arith.constant 0 : i32
      %sign3A_104 = arith.cmpi sgt, %jit3A_94, %sign3A_103 : i32
      %sign3A_105 = arith.extui %sign3A_104 : i1 to i32
      %sign3A_106 = arith.constant 0 : i32
      %sign3A_107 = arith.cmpi slt, %jit3A_94, %sign3A_106 : i32
      %sign3A_108 = arith.extui %sign3A_107 : i1 to i32
      %sign3A_109 = arith.subi %sign3A_105, %sign3A_108 : i32
      %ne3A_110 = arith.cmpi ne, %sign3A_102, %sign3A_109 : i32
      %rem3A_111 = arith.remsi %scan3A_93, %jit3A_94 : i32
      %ne3A_112 = arith.constant 0 : i32
      %ne3A_113 = arith.cmpi ne, %rem3A_111, %ne3A_112 : i32
      %and3A_114 = arith.andi %ne3A_110, %ne3A_113 : i1
      %sub3A_115 = arith.constant 1 : i32
      %sub3A_116 = arith.subi %div3A_95, %sub3A_115 : i32
      %select_n3A_117 = arith.select %and3A_114, %sub3A_116, %div3A_95 : i32
      %jit3A_118 = arith.constant 8 : i32
      %eq3A_119 = arith.constant 0 : i32
      %eq3A_120 = arith.cmpi eq, %jit3A_118, %eq3A_119 : i32
      %jit3A_121 = arith.constant 1 : i32
      %select_n3A_122 = arith.select %eq3A_120, %jit3A_121, %jit3A_118 : i32
      %rem3A_123 = arith.remsi %scan3A_93, %select_n3A_122 : i32
      %ne3A_124 = arith.constant 0 : i32
      %ne3A_125 = arith.cmpi ne, %rem3A_123, %ne3A_124 : i32
      %lt3A_126 = arith.constant 0 : i32
      %lt3A_127 = arith.cmpi slt, %rem3A_123, %lt3A_126 : i32
      %lt3A_128 = arith.constant 0 : i32
      %lt3A_129 = arith.cmpi slt, %select_n3A_122, %lt3A_128 : i32
      %ne3A_130 = arith.xori %lt3A_127, %lt3A_129 : i1
      %and3A_131 = arith.andi %ne3A_130, %ne3A_125 : i1
      %add3A_132 = arith.addi %rem3A_123, %select_n3A_122 : i32
      %select_n3A_133 = arith.select %and3A_131, %add3A_132, %rem3A_123 : i32
      %broadcast_in_dim3A_134 = vector.broadcast %scan3A_93 : i32 to vector<16xi32>
      %add3A_135 = arith.constant 112 : i32
      %add3A_136 = arith.addi %add3A_135, %select_n3A_30 : i32
      %sub3A_137 = arith.constant 128 : i32
      %sub3A_138 = arith.subi %add3A_136, %sub3A_137 : i32
      %add3A_139 = vector.broadcast %sub3A_138 : i32 to vector<16xi32>
      %add3A_140 = arith.addi %iota3A, %add3A_139 : vector<16xi32>
      %ge3A = arith.constant 0 : i32
      %ge3A_141 = vector.broadcast %ge3A : i32 to vector<16xi32>
      %ge3A_142 = arith.cmpi sge, %add3A_140, %ge3A_141 : vector<16xi32>
      %lt3A_143 = arith.constant 128 : i32
      %lt3A_144 = vector.broadcast %lt3A_143 : i32 to vector<16xi32>
      %lt3A_145 = arith.cmpi slt, %add3A_140, %lt3A_144 : vector<16xi32>
      %and3A_146 = arith.andi %ge3A_142, %lt3A_145 : vector<16xi1>
      %jit3A_147 = arith.constant 0 : i32
      %jit3A_148 = arith.constant 127 : i32
      %max3A = vector.broadcast %jit3A_147 : i32 to vector<16xi32>
      %max3A_149 = arith.maxsi %max3A, %add3A_140 : vector<16xi32>
      %min3A = vector.broadcast %jit3A_148 : i32 to vector<16xi32>
      %min3A_150 = arith.minsi %min3A, %max3A_149 : vector<16xi32>
      %gather3A = tpu.vector_load_idx %arg5[%broadcast_in_dim3A_134, %min3A_150] : memref<128x128xf32, #tpu.memory_space<vmem>>[vector<16xi32>, vector<16xi32>], vector<16xf32>,
      %jit3A_151 = arith.constant 0.000000e+00 : f32
      %broadcast_in_dim3A_152 = vector.broadcast %jit3A_151 : f32 to vector<16xf32>
      %select_n3A_153 = arith.select %and3A_146, %gather3A, %broadcast_in_dim3A_152 : vector<16xi1>, vector<16xf32>
      %swap3A = arith.index_cast %select_n3A_117 : i32 to index
      %swap3A_154 = arith.index_cast %select_n3A_133 : i32 to index
      %swap3A_155 = arith.constant 112 : index
      %swap3A_156 = tpu.vector_load %arg6[%swap3A, %swap3A_154, %swap3A_155] {strides = array<i32>} : memref<16x8x384xf32, #tpu.memory_space<vmem>>, vector<16xf32>,
      tpu.vector_store %arg6[%swap3A, %swap3A_154, %swap3A_155], %select_n3A_153 {strides = array<i32>} : memref<16x8x384xf32, #tpu.memory_space<vmem>>, vector<16xf32>,
      %add3A_157 = arith.constant 240 : i32
      %add3A_158 = arith.addi %add3A_157, %select_n3A_30 : i32
      %sub3A_159 = arith.constant 128 : i32
      %sub3A_160 = arith.subi %add3A_158, %sub3A_159 : i32
      %add3A_161 = vector.broadcast %sub3A_160 : i32 to vector<16xi32>
      %add3A_162 = arith.addi %iota3A, %add3A_161 : vector<16xi32>
      %ge3A_163 = arith.constant 0 : i32
      %ge3A_164 = vector.broadcast %ge3A_163 : i32 to vector<16xi32>
      %ge3A_165 = arith.cmpi sge, %add3A_162, %ge3A_164 : vector<16xi32>
      %lt3A_166 = arith.constant 128 : i32
      %lt3A_167 = vector.broadcast %lt3A_166 : i32 to vector<16xi32>
      %lt3A_168 = arith.cmpi slt, %add3A_162, %lt3A_167 : vector<16xi32>
      %and3A_169 = arith.andi %ge3A_165, %lt3A_168 : vector<16xi1>
      %jit3A_170 = arith.constant 0 : i32
      %jit3A_171 = arith.constant 127 : i32
      %max3A_172 = vector.broadcast %jit3A_170 : i32 to vector<16xi32>
      %max3A_173 = arith.maxsi %max3A_172, %add3A_162 : vector<16xi32>
      %min3A_174 = vector.broadcast %jit3A_171 : i32 to vector<16xi32>
      %min3A_175 = arith.minsi %min3A_174, %max3A_173 : vector<16xi32>
      %gather3A_176 = tpu.vector_load_idx %arg5[%broadcast_in_dim3A_134, %min3A_175] : memref<128x128xf32, #tpu.memory_space<vmem>>[vector<16xi32>, vector<16xi32>], vector<16xf32>,
      %jit3A_177 = arith.constant 0.000000e+00 : f32
      %broadcast_in_dim3A_178 = vector.broadcast %jit3A_177 : f32 to vector<16xf32>
      %select_n3A_179 = arith.select %and3A_169, %gather3A_176, %broadcast_in_dim3A_178 : vector<16xi1>, vector<16xf32>
      %swap3A_180 = arith.index_cast %select_n3A_117 : i32 to index
      %swap3A_181 = arith.index_cast %select_n3A_133 : i32 to index
      %swap3A_182 = arith.constant 240 : index
      %swap3A_183 = tpu.vector_load %arg6[%swap3A_180, %swap3A_181, %swap3A_182] {strides = array<i32>} : memref<16x8x384xf32, #tpu.memory_space<vmem>>, vector<16xf32>,
      tpu.vector_store %arg6[%swap3A_180, %swap3A_181, %swap3A_182], %select_n3A_179 {strides = array<i32>} : memref<16x8x384xf32, #tpu.memory_space<vmem>>, vector<16xf32>,
      %add3A_184 = arith.constant 128 : i32
      %add3A_185 = arith.addi %add3A_184, %select_n3A_30 : i32
      %sub3A_186 = arith.constant 128 : i32
      %sub3A_187 = arith.subi %add3A_185, %sub3A_186 : i32
      %add3A_188 = vector.broadcast %sub3A_187 : i32 to vector<16xi32>
      %add3A_189 = arith.addi %iota3A, %add3A_188 : vector<16xi32>
      %gather3A_190 = tpu.vector_load_idx %arg5[%broadcast_in_dim3A_134, %add3A_189] : memref<128x128xf32, #tpu.memory_space<vmem>>[vector<16xi32>, vector<16xi32>], vector<16xf32>,
      %swap3A_191 = arith.index_cast %select_n3A_117 : i32 to index
      %swap3A_192 = arith.index_cast %select_n3A_133 : i32 to index
      %swap3A_193 = arith.constant 128 : index
      %swap3A_194 = tpu.vector_load %arg6[%swap3A_191, %swap3A_192, %swap3A_193] {strides = array<i32>} : memref<16x8x384xf32, #tpu.memory_space<vmem>>, vector<16xf32>,
      tpu.vector_store %arg6[%swap3A_191, %swap3A_192, %swap3A_193], %gather3A_190 {strides = array<i32>} : memref<16x8x384xf32, #tpu.memory_space<vmem>>, vector<16xf32>,
      %add3A_195 = arith.constant 144 : i32
      %add3A_196 = arith.addi %add3A_195, %select_n3A_30 : i32
      %sub3A_197 = arith.constant 128 : i32
      %sub3A_198 = arith.subi %add3A_196, %sub3A_197 : i32
      %add3A_199 = vector.broadcast %sub3A_198 : i32 to vector<16xi32>
      %add3A_200 = arith.addi %iota3A, %add3A_199 : vector<16xi32>
      %gather3A_201 = tpu.vector_load_idx %arg5[%broadcast_in_dim3A_134, %add3A_200] : memref<128x128xf32, #tpu.memory_space<vmem>>[vector<16xi32>, vector<16xi32>], vector<16xf32>,
      %swap3A_202 = arith.index_cast %select_n3A_117 : i32 to index
      %swap3A_203 = arith.index_cast %select_n3A_133 : i32 to index
      %swap3A_204 = arith.constant 144 : index
      %swap3A_205 = tpu.vector_load %arg6[%swap3A_202, %swap3A_203, %swap3A_204] {strides = array<i32>} : memref<16x8x384xf32, #tpu.memory_space<vmem>>, vector<16xf32>,
      tpu.vector_store %arg6[%swap3A_202, %swap3A_203, %swap3A_204], %gather3A_201 {strides = array<i32>} : memref<16x8x384xf32, #tpu.memory_space<vmem>>, vector<16xf32>,
      %add3A_206 = arith.constant 160 : i32
      %add3A_207 = arith.addi %add3A_206, %select_n3A_30 : i32
      %sub3A_208 = arith.constant 128 : i32
      %sub3A_209 = arith.subi %add3A_207, %sub3A_208 : i32
      %add3A_210 = vector.broadcast %sub3A_209 : i32 to vector<16xi32>
      %add3A_211 = arith.addi %iota3A, %add3A_210 : vector<16xi32>
      %gather3A_212 = tpu.vector_load_idx %arg5[%broadcast_in_dim3A_134, %add3A_211] : memref<128x128xf32, #tpu.memory_space<vmem>>[vector<16xi32>, vector<16xi32>], vector<16xf32>,
      %swap3A_213 = arith.index_cast %select_n3A_117 : i32 to index
      %swap3A_214 = arith.index_cast %select_n3A_133 : i32 to index
      %swap3A_215 = arith.constant 160 : index
      %swap3A_216 = tpu.vector_load %arg6[%swap3A_213, %swap3A_214, %swap3A_215] {strides = array<i32>} : memref<16x8x384xf32, #tpu.memory_space<vmem>>, vector<16xf32>,
      tpu.vector_store %arg6[%swap3A_213, %swap3A_214, %swap3A_215], %gather3A_212 {strides = array<i32>} : memref<16x8x384xf32, #tpu.memory_space<vmem>>, vector<16xf32>,
      %add3A_217 = arith.constant 176 : i32
      %add3A_218 = arith.addi %add3A_217, %select_n3A_30 : i32
      %sub3A_219 = arith.constant 128 : i32
      %sub3A_220 = arith.subi %add3A_218, %sub3A_219 : i32
      %add3A_221 = vector.broadcast %sub3A_220 : i32 to vector<16xi32>
      %add3A_222 = arith.addi %iota3A, %add3A_221 : vector<16xi32>
      %gather3A_223 = tpu.vector_load_idx %arg5[%broadcast_in_dim3A_134, %add3A_222] : memref<128x128xf32, #tpu.memory_space<vmem>>[vector<16xi32>, vector<16xi32>], vector<16xf32>,
      %swap3A_224 = arith.index_cast %select_n3A_117 : i32 to index
      %swap3A_225 = arith.index_cast %select_n3A_133 : i32 to index
      %swap3A_226 = arith.constant 176 : index
      %swap3A_227 = tpu.vector_load %arg6[%swap3A_224, %swap3A_225, %swap3A_226] {strides = array<i32>} : memref<16x8x384xf32, #tpu.memory_space<vmem>>, vector<16xf32>,
      tpu.vector_store %arg6[%swap3A_224, %swap3A_225, %swap3A_226], %gather3A_223 {strides = array<i32>} : memref<16x8x384xf32, #tpu.memory_space<vmem>>, vector<16xf32>,
      %add3A_228 = arith.constant 192 : i32
      %add3A_229 = arith.addi %add3A_228, %select_n3A_30 : i32
      %sub3A_230 = arith.constant 128 : i32
      %sub3A_231 = arith.subi %add3A_229, %sub3A_230 : i32
      %add3A_232 = vector.broadcast %sub3A_231 : i32 to vector<16xi32>
      %add3A_233 = arith.addi %iota3A, %add3A_232 : vector<16xi32>
      %gather3A_234 = tpu.vector_load_idx %arg5[%broadcast_in_dim3A_134, %add3A_233] : memref<128x128xf32, #tpu.memory_space<vmem>>[vector<16xi32>, vector<16xi32>], vector<16xf32>,
      %swap3A_235 = arith.index_cast %select_n3A_117 : i32 to index
      %swap3A_236 = arith.index_cast %select_n3A_133 : i32 to index
      %swap3A_237 = arith.constant 192 : index
      %swap3A_238 = tpu.vector_load %arg6[%swap3A_235, %swap3A_236, %swap3A_237] {strides = array<i32>} : memref<16x8x384xf32, #tpu.memory_space<vmem>>, vector<16xf32>,
      tpu.vector_store %arg6[%swap3A_235, %swap3A_236, %swap3A_237], %gather3A_234 {strides = array<i32>} : memref<16x8x384xf32, #tpu.memory_space<vmem>>, vector<16xf32>,
      %add3A_239 = arith.constant 208 : i32
      %add3A_240 = arith.addi %add3A_239, %select_n3A_30 : i32
      %sub3A_241 = arith.constant 128 : i32
      %sub3A_242 = arith.subi %add3A_240, %sub3A_241 : i32
      %add3A_243 = vector.broadcast %sub3A_242 : i32 to vector<16xi32>
      %add3A_244 = arith.addi %iota3A, %add3A_243 : vector<16xi32>
      %gather3A_245 = tpu.vector_load_idx %arg5[%broadcast_in_dim3A_134, %add3A_244] : memref<128x128xf32, #tpu.memory_space<vmem>>[vector<16xi32>, vector<16xi32>], vector<16xf32>,
      %swap3A_246 = arith.index_cast %select_n3A_117 : i32 to index
      %swap3A_247 = arith.index_cast %select_n3A_133 : i32 to index
      %swap3A_248 = arith.constant 208 : index
      %swap3A_249 = tpu.vector_load %arg6[%swap3A_246, %swap3A_247, %swap3A_248] {strides = array<i32>} : memref<16x8x384xf32, #tpu.memory_space<vmem>>, vector<16xf32>,
      tpu.vector_store %arg6[%swap3A_246, %swap3A_247, %swap3A_248], %gather3A_245 {strides = array<i32>} : memref<16x8x384xf32, #tpu.memory_space<vmem>>, vector<16xf32>,
      %add3A_250 = arith.constant 224 : i32
      %add3A_251 = arith.addi %add3A_250, %select_n3A_30 : i32
      %sub3A_252 = arith.constant 128 : i32
      %sub3A_253 = arith.subi %add3A_251, %sub3A_252 : i32
      %add3A_254 = vector.broadcast %sub3A_253 : i32 to vector<16xi32>
      %add3A_255 = arith.addi %iota3A, %add3A_254 : vector<16xi32>
      %gather3A_256 = tpu.vector_load_idx %arg5[%broadcast_in_dim3A_134, %add3A_255] : memref<128x128xf32, #tpu.memory_space<vmem>>[vector<16xi32>, vector<16xi32>], vector<16xf32>,
      %swap3A_257 = arith.index_cast %select_n3A_117 : i32 to index
      %swap3A_258 = arith.index_cast %select_n3A_133 : i32 to index
      %swap3A_259 = arith.constant 224 : index
      %swap3A_260 = tpu.vector_load %arg6[%swap3A_257, %swap3A_258, %swap3A_259] {strides = array<i32>} : memref<16x8x384xf32, #tpu.memory_space<vmem>>, vector<16xf32>,
      tpu.vector_store %arg6[%swap3A_257, %swap3A_258, %swap3A_259], %gather3A_256 {strides = array<i32>} : memref<16x8x384xf32, #tpu.memory_space<vmem>>, vector<16xf32>,
    }
    %scan3A_80 = arith.constant 128 : i32
    %scan3A_81 = arith.constant 0 : i32
    %scan3A_82 = arith.constant 0 : i32
    %scan3A_83 = arith.constant 16 : i32
    %scan3A_84 = arith.addi %scan3A_82, %scan3A_83 : i32
    %scan3A_85 = arith.constant 1 : i32
    scf.for %scan3A_93 = %scan3A_82 to %scan3A_84 step %scan3A_85  : i32 {
      %mul3A_94 = arith.constant 8 : i32
      %mul3A_95 = arith.muli %scan3A_93, %mul3A_94 : i32
      %add3A_96 = arith.addi %mul3A_95, %select_n3A_30 : i32
      %mul3A_97 = arith.constant 8 : i32
      %mul3A_98 = arith.muli %scan3A_93, %mul3A_97 : i32
      %multiple_of3A = tpu.assume_multiple %mul3A_98, 8 : i32
      %add3A_99 = arith.constant 128 : i32
      %add3A_100 = arith.addi %multiple_of3A, %add3A_99 : i32
      %dma_start3A_101 = arith.constant 0 : i32
      %dma_start3A_102 = arith.constant 0 : i32
      %dma_start3A_103 = arith.constant 0 : i32
      %dma_start3A_104 = tpu.memref_slice %arg6[%dma_start3A_102, %dma_start3A_103, %multiple_of3A] : memref<16x8x384xf32, #tpu.memory_space<vmem>> -> memref<16x8x128xf32, #tpu.memory_space<vmem>>
      %dma_start3A_105 = arith.constant 0 : i32
      %dma_start3A_106 = arith.constant 0 : i32
      %dma_start3A_107 = arith.constant 0 : i32
      %dma_start3A_108 = tpu.memref_slice %arg4[%select_n3A, %add3A_96, %dma_start3A_105, %dma_start3A_101, %dma_start3A_106, %dma_start3A_107] : memref<4x128x16x2x8x128xf32, #tpu.memory_space<hbm>> -> memref<1x1x16x1x8x128xf32, #tpu.memory_space<hbm>>
      %dma_start3A_109 = tpu.memref_squeeze %dma_start3A_108 : memref<1x1x16x1x8x128xf32, #tpu.memory_space<hbm>> -> memref<16x8x128xf32, #tpu.memory_space<hbm>>
      %dma_start3A_110 = arith.constant 0 : i32
      %dma_start3A_111 = arith.constant 0 : i32
      %dma_start3A_112 = arith.constant 0 : i32
      %dma_start3A_113 = tpu.memref_slice %arg4[%select_n3A, %add3A_96, %dma_start3A_110, %dma_start3A_101, %dma_start3A_111, %dma_start3A_112] : memref<4x128x16x2x8x128xf32, #tpu.memory_space<hbm>> -> memref<1x1x16x1x8x128xf32, #tpu.memory_space<hbm>>
      %dma_start3A_114 = tpu.memref_squeeze %dma_start3A_113 : memref<1x1x16x1x8x128xf32, #tpu.memory_space<hbm>> -> memref<16x8x128xf32, #tpu.memory_space<hbm>>
      %dma_start3A_115 = arith.constant 0 : i32
      %dma_start3A_116 = arith.constant 0 : i32
      %dma_start3A_117 = tpu.memref_slice %arg6[%dma_start3A_115, %dma_start3A_116, %multiple_of3A] : memref<16x8x384xf32, #tpu.memory_space<vmem>> -> memref<16x8x128xf32, #tpu.memory_space<vmem>>
      tpu.enqueue_dma source(%dma_start3A_117 : memref<16x8x128xf32, #tpu.memory_space<vmem>>) target(%dma_start3A_114 : memref<16x8x128xf32, #tpu.memory_space<hbm>>) target_semaphore(%arg8 : memref<!tpu.dma_semaphore, #tpu.memory_space<semaphore_mem>>)
      %dma_start3A_118 = arith.constant 1 : i32
      %dma_start3A_119 = arith.constant 0 : i32
      %dma_start3A_120 = arith.constant 0 : i32
      %dma_start3A_121 = tpu.memref_slice %arg6[%dma_start3A_119, %dma_start3A_120, %add3A_100] : memref<16x8x384xf32, #tpu.memory_space<vmem>> -> memref<16x8x128xf32, #tpu.memory_space<vmem>>
      %dma_start3A_122 = arith.constant 0 : i32
      %dma_start3A_123 = arith.constant 0 : i32
      %dma_start3A_124 = arith.constant 0 : i32
      %dma_start3A_125 = tpu.memref_slice %arg4[%select_n3A, %add3A_96, %dma_start3A_122, %dma_start3A_118, %dma_start3A_123, %dma_start3A_124] : memref<4x128x16x2x8x128xf32, #tpu.memory_space<hbm>> -> memref<1x1x16x1x8x128xf32, #tpu.memory_space<hbm>>
      %dma_start3A_126 = tpu.memref_squeeze %dma_start3A_125 : memref<1x1x16x1x8x128xf32, #tpu.memory_space<hbm>> -> memref<16x8x128xf32, #tpu.memory_space<hbm>>
      %dma_start3A_127 = arith.constant 0 : i32
      %dma_start3A_128 = arith.constant 0 : i32
      %dma_start3A_129 = arith.constant 0 : i32
      %dma_start3A_130 = tpu.memref_slice %arg4[%select_n3A, %add3A_96, %dma_start3A_127, %dma_start3A_118, %dma_start3A_128, %dma_start3A_129] : memref<4x128x16x2x8x128xf32, #tpu.memory_space<hbm>> -> memref<1x1x16x1x8x128xf32, #tpu.memory_space<hbm>>
      %dma_start3A_131 = tpu.memref_squeeze %dma_start3A_130 : memref<1x1x16x1x8x128xf32, #tpu.memory_space<hbm>> -> memref<16x8x128xf32, #tpu.memory_space<hbm>>
      %dma_start3A_132 = arith.constant 0 : i32
      %dma_start3A_133 = arith.constant 0 : i32
      %dma_start3A_134 = tpu.memref_slice %arg6[%dma_start3A_132, %dma_start3A_133, %add3A_100] : memref<16x8x384xf32, #tpu.memory_space<vmem>> -> memref<16x8x128xf32, #tpu.memory_space<vmem>>
      tpu.enqueue_dma source(%dma_start3A_134 : memref<16x8x128xf32, #tpu.memory_space<vmem>>) target(%dma_start3A_131 : memref<16x8x128xf32, #tpu.memory_space<hbm>>) target_semaphore(%arg8 : memref<!tpu.dma_semaphore, #tpu.memory_space<semaphore_mem>>)
    }
    %scan3A_86 = arith.constant 16 : i32
    %scan3A_87 = arith.constant 0 : i32
    %scan3A_88 = arith.constant 0 : i32
    %scan3A_89 = arith.constant 16 : i32
    %scan3A_90 = arith.addi %scan3A_88, %scan3A_89 : i32
    %scan3A_91 = arith.constant 1 : i32
    scf.for %scan3A_93 = %scan3A_88 to %scan3A_90 step %scan3A_91  : i32 {
      %mul3A_94 = arith.constant 8 : i32
      %mul3A_95 = arith.muli %scan3A_93, %mul3A_94 : i32
      %add3A_96 = arith.addi %mul3A_95, %select_n3A_30 : i32
      %dma_wait3A_97 = arith.constant 0 : i32
      %dma_wait3A_98 = tpu.memref_slice %arg7[%add3A_96, %dma_wait3A_97] : memref<192x128xf32, #tpu.memory_space<vmem>> -> memref<64x128xf32, #tpu.memory_space<vmem>>
      %dma_wait3A_99 = arith.constant 0 : i32
      %dma_wait3A_100 = arith.constant 0 : i32
      %dma_wait3A_101 = tpu.memref_slice %arg3[%select_n3A, %add3A_96, %dma_wait3A_99, %dma_wait3A_100] : memref<4x128x64x128xf32, #tpu.memory_space<hbm>> -> memref<1x1x64x128xf32, #tpu.memory_space<hbm>>
      %dma_wait3A_102 = tpu.memref_squeeze %dma_wait3A_101 : memref<1x1x64x128xf32, #tpu.memory_space<hbm>> -> memref<64x128xf32, #tpu.memory_space<hbm>>
      %dma_wait3A_103 = arith.constant 0 : i32
      %dma_wait3A_104 = arith.constant 0 : i32
      %dma_wait3A_105 = tpu.memref_slice %arg3[%select_n3A, %add3A_96, %dma_wait3A_103, %dma_wait3A_104] : memref<4x128x64x128xf32, #tpu.memory_space<hbm>> -> memref<1x1x64x128xf32, #tpu.memory_space<hbm>>
      %dma_wait3A_106 = tpu.memref_squeeze %dma_wait3A_105 : memref<1x1x64x128xf32, #tpu.memory_space<hbm>> -> memref<64x128xf32, #tpu.memory_space<hbm>>
      %dma_wait3A_107 = arith.constant 0 : i32
      %dma_wait3A_108 = tpu.memref_slice %arg7[%add3A_96, %dma_wait3A_107] : memref<192x128xf32, #tpu.memory_space<vmem>> -> memref<64x128xf32, #tpu.memory_space<vmem>>
      tpu.wait_dma2 semaphore(%arg8 : memref<!tpu.dma_semaphore, #tpu.memory_space<semaphore_mem>>) src(%dma_wait3A_108 : memref<64x128xf32, #tpu.memory_space<vmem>>) dst(%dma_wait3A_106 : memref<64x128xf32, #tpu.memory_space<hbm>>)
      %mul3A_109 = arith.constant 8 : i32
      %mul3A_110 = arith.muli %scan3A_93, %mul3A_109 : i32
      %add3A_111 = arith.addi %mul3A_110, %select_n3A_30 : i32
      %mul3A_112 = arith.constant 8 : i32
      %mul3A_113 = arith.muli %scan3A_93, %mul3A_112 : i32
      %multiple_of3A = tpu.assume_multiple %mul3A_113, 8 : i32
      %add3A_114 = arith.constant 128 : i32
      %add3A_115 = arith.addi %multiple_of3A, %add3A_114 : i32
      %dma_wait3A_116 = arith.constant 0 : i32
      %dma_wait3A_117 = arith.constant 0 : i32
      %dma_wait3A_118 = arith.constant 0 : i32
      %dma_wait3A_119 = tpu.memref_slice %arg6[%dma_wait3A_117, %dma_wait3A_118, %multiple_of3A] : memref<16x8x384xf32, #tpu.memory_space<vmem>> -> memref<16x8x128xf32, #tpu.memory_space<vmem>>
      %dma_wait3A_120 = arith.constant 0 : i32
      %dma_wait3A_121 = arith.constant 0 : i32
      %dma_wait3A_122 = arith.constant 0 : i32
      %dma_wait3A_123 = tpu.memref_slice %arg4[%select_n3A, %add3A_111, %dma_wait3A_120, %dma_wait3A_116, %dma_wait3A_121, %dma_wait3A_122] : memref<4x128x16x2x8x128xf32, #tpu.memory_space<hbm>> -> memref<1x1x16x1x8x128xf32, #tpu.memory_space<hbm>>
      %dma_wait3A_124 = tpu.memref_squeeze %dma_wait3A_123 : memref<1x1x16x1x8x128xf32, #tpu.memory_space<hbm>> -> memref<16x8x128xf32, #tpu.memory_space<hbm>>
      %dma_wait3A_125 = arith.constant 0 : i32
      %dma_wait3A_126 = arith.constant 0 : i32
      %dma_wait3A_127 = arith.constant 0 : i32
      %dma_wait3A_128 = tpu.memref_slice %arg4[%select_n3A, %add3A_111, %dma_wait3A_125, %dma_wait3A_116, %dma_wait3A_126, %dma_wait3A_127] : memref<4x128x16x2x8x128xf32, #tpu.memory_space<hbm>> -> memref<1x1x16x1x8x128xf32, #tpu.memory_space<hbm>>
      %dma_wait3A_129 = tpu.memref_squeeze %dma_wait3A_128 : memref<1x1x16x1x8x128xf32, #tpu.memory_space<hbm>> -> memref<16x8x128xf32, #tpu.memory_space<hbm>>
      %dma_wait3A_130 = arith.constant 0 : i32
      %dma_wait3A_131 = arith.constant 0 : i32
      %dma_wait3A_132 = tpu.memref_slice %arg6[%dma_wait3A_130, %dma_wait3A_131, %multiple_of3A] : memref<16x8x384xf32, #tpu.memory_space<vmem>> -> memref<16x8x128xf32, #tpu.memory_space<vmem>>
      tpu.wait_dma2 semaphore(%arg8 : memref<!tpu.dma_semaphore, #tpu.memory_space<semaphore_mem>>) src(%dma_wait3A_132 : memref<16x8x128xf32, #tpu.memory_space<vmem>>) dst(%dma_wait3A_129 : memref<16x8x128xf32, #tpu.memory_space<hbm>>)
      %dma_wait3A_133 = arith.constant 1 : i32
      %dma_wait3A_134 = arith.constant 0 : i32
      %dma_wait3A_135 = arith.constant 0 : i32
      %dma_wait3A_136 = tpu.memref_slice %arg6[%dma_wait3A_134, %dma_wait3A_135, %add3A_115] : memref<16x8x384xf32, #tpu.memory_space<vmem>> -> memref<16x8x128xf32, #tpu.memory_space<vmem>>
      %dma_wait3A_137 = arith.constant 0 : i32
      %dma_wait3A_138 = arith.constant 0 : i32
      %dma_wait3A_139 = arith.constant 0 : i32
      %dma_wait3A_140 = tpu.memref_slice %arg4[%select_n3A, %add3A_111, %dma_wait3A_137, %dma_wait3A_133, %dma_wait3A_138, %dma_wait3A_139] : memref<4x128x16x2x8x128xf32, #tpu.memory_space<hbm>> -> memref<1x1x16x1x8x128xf32, #tpu.memory_space<hbm>>
      %dma_wait3A_141 = tpu.memref_squeeze %dma_wait3A_140 : memref<1x1x16x1x8x128xf32, #tpu.memory_space<hbm>> -> memref<16x8x128xf32, #tpu.memory_space<hbm>>
      %dma_wait3A_142 = arith.constant 0 : i32
      %dma_wait3A_143 = arith.constant 0 : i32
      %dma_wait3A_144 = arith.constant 0 : i32
      %dma_wait3A_145 = tpu.memref_slice %arg4[%select_n3A, %add3A_111, %dma_wait3A_142, %dma_wait3A_133, %dma_wait3A_143, %dma_wait3A_144] : memref<4x128x16x2x8x128xf32, #tpu.memory_space<hbm>> -> memref<1x1x16x1x8x128xf32, #tpu.memory_space<hbm>>
      %dma_wait3A_146 = tpu.memref_squeeze %dma_wait3A_145 : memref<1x1x16x1x8x128xf32, #tpu.memory_space<hbm>> -> memref<16x8x128xf32, #tpu.memory_space<hbm>>
      %dma_wait3A_147 = arith.constant 0 : i32
      %dma_wait3A_148 = arith.constant 0 : i32
      %dma_wait3A_149 = tpu.memref_slice %arg6[%dma_wait3A_147, %dma_wait3A_148, %add3A_115] : memref<16x8x384xf32, #tpu.memory_space<vmem>> -> memref<16x8x128xf32, #tpu.memory_space<vmem>>
      tpu.wait_dma2 semaphore(%arg8 : memref<!tpu.dma_semaphore, #tpu.memory_space<semaphore_mem>>) src(%dma_wait3A_149 : memref<16x8x128xf32, #tpu.memory_space<vmem>>) dst(%dma_wait3A_146 : memref<16x8x128xf32, #tpu.memory_space<hbm>>)
    }
    %scan3A_92 = arith.constant 16 : i32
    return
  }
}

module attributes {stable_mosaic.version = 14 : i64} {
  func.func @_tc_body(%arg0: i32, %arg1: i32, %arg2: memref<1x128x128xf32, #tpu.memory_space<vmem>>, %arg3: memref<1x16x16x8x128xf32, #tpu.memory_space<vmem>>, %arg4: memref<1x16x16x8x128xf32, #tpu.memory_space<vmem>>, %arg5: memref<128x384xf32, #tpu.memory_space<vmem>>) attributes {dimension_semantics = [#tpu.dimension_semantics<arbitrary>, #tpu.dimension_semantics<arbitrary>], iteration_bounds = array<i64: 4, 8>, scalar_prefetch = 0 : i64, scratch_operands = 1 : i64, tpu.core_type = #tpu.core_type<tc>, window_params = [{transform_indices = @transform_0, window_bounds = array<i64: 1, 128, 128>}, {transform_indices = @transform_1, window_bounds = array<i64: 1, 16, 16, 8, 128>}, {transform_indices = @transform_2, window_bounds = array<i64: 1, 16, 16, 8, 128>}]} {
    %eq3A = arith.constant 0 : i32
    %eq3A_0 = arith.cmpi eq, %arg1, %eq3A : i32
    %convert_element_type3A = arith.extui %eq3A_0 : i1 to i32
    %cond3A = arith.constant 0 : i32
    %cond3A_1 = arith.cmpi ne, %convert_element_type3A, %cond3A : i32
    scf.if %cond3A_1 {
      %broadcast_in_dim3A = arith.constant 0.000000e+00 : f32
      %broadcast_in_dim3A_1347 = vector.broadcast %broadcast_in_dim3A : f32 to vector<128x384xf32>
      %swap3A_1348 = arith.constant 0 : index
      %swap3A_1349 = arith.constant 0 : index
      %swap3A_1350 = vector.load %arg5[%swap3A_1348, %swap3A_1349] : memref<128x384xf32, #tpu.memory_space<vmem>>, vector<128x384xf32>
      tpu.vector_store %arg5[%swap3A_1348, %swap3A_1349], %broadcast_in_dim3A_1347 {strides = array<i32>} : memref<128x384xf32, #tpu.memory_space<vmem>>, vector<128x384xf32>,
      %get3A_1351 = arith.constant 0 : index
      %get3A_1352 = arith.constant 0 : index
      %get3A_1353 = arith.constant 0 : index
      %get3A_1354 = vector.load %arg2[%get3A_1351, %get3A_1352, %get3A_1353] : memref<1x128x128xf32, #tpu.memory_space<vmem>>, vector<1x128x128xf32>
      %get3A_1355 = vector.shape_cast %get3A_1354 : vector<1x128x128xf32> to vector<128x128xf32>
      %swap3A_1356 = arith.constant 0 : index
      %swap3A_1357 = arith.constant 128 : index
      %swap3A_1358 = vector.load %arg5[%swap3A_1356, %swap3A_1357] : memref<128x384xf32, #tpu.memory_space<vmem>>, vector<128x128xf32>
      tpu.vector_store %arg5[%swap3A_1356, %swap3A_1357], %get3A_1355 {strides = array<i32>} : memref<128x384xf32, #tpu.memory_space<vmem>>, vector<128x128xf32>,
    } else {
    }
    %mul3A = arith.constant 16 : i32
    %mul3A_2 = arith.muli %arg1, %mul3A : i32
    %iota3A = tpu.iota {dimensions = array<i32: 1>} : vector<128x128xi32>
    %add3A = arith.constant 0 : i32
    %add3A_3 = arith.addi %mul3A_2, %add3A : i32
    %add3A_4 = arith.constant 128 : i32
    %add3A_5 = arith.addi %add3A_3, %add3A_4 : i32
    %sub3A = arith.constant 64 : i32
    %sub3A_6 = arith.subi %add3A_5, %sub3A : i32
    %jit3A = arith.constant 128 : i32
    %div3A = arith.divsi %sub3A_6, %jit3A : i32
    %sign3A = arith.constant 0 : i32
    %sign3A_7 = arith.cmpi sgt, %sub3A_6, %sign3A : i32
    %sign3A_8 = arith.extui %sign3A_7 : i1 to i32
    %sign3A_9 = arith.constant 0 : i32
    %sign3A_10 = arith.cmpi slt, %sub3A_6, %sign3A_9 : i32
    %sign3A_11 = arith.extui %sign3A_10 : i1 to i32
    %sign3A_12 = arith.subi %sign3A_8, %sign3A_11 : i32
    %sign3A_13 = arith.constant 0 : i32
    %sign3A_14 = arith.cmpi sgt, %jit3A, %sign3A_13 : i32
    %sign3A_15 = arith.extui %sign3A_14 : i1 to i32
    %sign3A_16 = arith.constant 0 : i32
    %sign3A_17 = arith.cmpi slt, %jit3A, %sign3A_16 : i32
    %sign3A_18 = arith.extui %sign3A_17 : i1 to i32
    %sign3A_19 = arith.subi %sign3A_15, %sign3A_18 : i32
    %ne3A = arith.cmpi ne, %sign3A_12, %sign3A_19 : i32
    %rem3A = arith.remsi %sub3A_6, %jit3A : i32
    %ne3A_20 = arith.constant 0 : i32
    %ne3A_21 = arith.cmpi ne, %rem3A, %ne3A_20 : i32
    %and3A = arith.andi %ne3A, %ne3A_21 : i1
    %sub3A_22 = arith.constant 1 : i32
    %sub3A_23 = arith.subi %div3A, %sub3A_22 : i32
    %select_n3A = arith.select %and3A, %sub3A_23, %div3A : i32
    %mul3A_24 = arith.constant 128 : i32
    %mul3A_25 = arith.muli %select_n3A, %mul3A_24 : i32
    %multiple_of3A = tpu.assume_multiple %mul3A_25, 128 : i32
    %jit3A_26 = arith.constant 128 : i32
    %eq3A_27 = arith.constant 0 : i32
    %eq3A_28 = arith.cmpi eq, %jit3A_26, %eq3A_27 : i32
    %jit3A_29 = arith.constant 1 : i32
    %select_n3A_30 = arith.select %eq3A_28, %jit3A_29, %jit3A_26 : i32
    %rem3A_31 = arith.remsi %sub3A_6, %select_n3A_30 : i32
    %ne3A_32 = arith.constant 0 : i32
    %ne3A_33 = arith.cmpi ne, %rem3A_31, %ne3A_32 : i32
    %lt3A = arith.constant 0 : i32
    %lt3A_34 = arith.cmpi slt, %rem3A_31, %lt3A : i32
    %lt3A_35 = arith.constant 0 : i32
    %lt3A_36 = arith.cmpi slt, %select_n3A_30, %lt3A_35 : i32
    %ne3A_37 = arith.xori %lt3A_34, %lt3A_36 : i1
    %and3A_38 = arith.andi %ne3A_37, %ne3A_33 : i1
    %add3A_39 = arith.addi %rem3A_31, %select_n3A_30 : i32
    %select_n3A_40 = arith.select %and3A_38, %add3A_39, %rem3A_31 : i32
    %get3A = arith.constant 0 : index
    %get3A_41 = arith.index_cast %multiple_of3A : i32 to index
    %get3A_42 = vector.load %arg5[%get3A, %get3A_41] : memref<128x384xf32, #tpu.memory_space<vmem>>, vector<128x128xf32>
    %add3A_43 = arith.constant 128 : i32
    %add3A_44 = arith.addi %multiple_of3A, %add3A_43 : i32
    %get3A_45 = arith.constant 0 : index
    %get3A_46 = arith.index_cast %add3A_44 : i32 to index
    %get3A_47 = vector.load %arg5[%get3A_45, %get3A_46] : memref<128x384xf32, #tpu.memory_space<vmem>>, vector<128x128xf32>
    %sub3A_48 = arith.constant 128 : i32
    %sub3A_49 = arith.subi %sub3A_48, %select_n3A_40 : i32
    %lt3A_50 = vector.broadcast %sub3A_49 : i32 to vector<128x128xi32>
    %lt3A_51 = arith.cmpi slt, %iota3A, %lt3A_50 : vector<128x128xi32>
    %neg3A = arith.constant 0 : i32
    %neg3A_52 = arith.subi %neg3A, %select_n3A_40 : i32
    %roll3A = tpu.dynamic_rotate %get3A_42 by %neg3A_52 dim 1 : vector<128x128xf32>, i32 -> vector<128x128xf32>
    %neg3A_53 = arith.constant 0 : i32
    %neg3A_54 = arith.subi %neg3A_53, %select_n3A_40 : i32
    %roll3A_55 = tpu.dynamic_rotate %get3A_47 by %neg3A_54 dim 1 : vector<128x128xf32>, i32 -> vector<128x128xf32>
    %select_n3A_56 = arith.select %lt3A_51, %roll3A, %roll3A_55 : vector<128x128xi1>, vector<128x128xf32>
    %reshape3A = vector.shape_cast %select_n3A_56 : vector<128x128xf32> to vector<16x8x128xf32>
    %swap3A = arith.constant 0 : index
    %swap3A_57 = arith.constant 0 : index
    %swap3A_58 = arith.constant 0 : index
    %swap3A_59 = arith.constant 0 : index
    %swap3A_60 = arith.constant 0 : index
    %swap3A_61 = vector.load %arg3[%swap3A, %swap3A_57, %swap3A_58, %swap3A_59, %swap3A_60] : memref<1x16x16x8x128xf32, #tpu.memory_space<vmem>>, vector<1x1x16x8x128xf32>
    %swap3A_62 = vector.shape_cast %swap3A_61 : vector<1x1x16x8x128xf32> to vector<16x8x128xf32>
    %swap3A_63 = vector.shape_cast %reshape3A : vector<16x8x128xf32> to vector<1x1x16x8x128xf32>
    tpu.vector_store %arg3[%swap3A, %swap3A_57, %swap3A_58, %swap3A_59, %swap3A_60], %swap3A_63 {strides = array<i32>} : memref<1x16x16x8x128xf32, #tpu.memory_space<vmem>>, vector<1x1x16x8x128xf32>,
    %swap3A_64 = arith.constant 0 : index
    %swap3A_65 = arith.constant 0 : index
    %swap3A_66 = arith.constant 0 : index
    %swap3A_67 = arith.constant 0 : index
    %swap3A_68 = arith.constant 0 : index
    %swap3A_69 = vector.load %arg4[%swap3A_64, %swap3A_65, %swap3A_66, %swap3A_67, %swap3A_68] : memref<1x16x16x8x128xf32, #tpu.memory_space<vmem>>, vector<1x1x16x8x128xf32>
    %swap3A_70 = vector.shape_cast %swap3A_69 : vector<1x1x16x8x128xf32> to vector<16x8x128xf32>
    %swap3A_71 = vector.shape_cast %reshape3A : vector<16x8x128xf32> to vector<1x1x16x8x128xf32>
    tpu.vector_store %arg4[%swap3A_64, %swap3A_65, %swap3A_66, %swap3A_67, %swap3A_68], %swap3A_71 {strides = array<i32>} : memref<1x16x16x8x128xf32, #tpu.memory_space<vmem>>, vector<1x1x16x8x128xf32>,
    %add3A_72 = arith.constant 1 : i32
    %add3A_73 = arith.addi %mul3A_2, %add3A_72 : i32
    %add3A_74 = arith.constant 128 : i32
    %add3A_75 = arith.addi %add3A_73, %add3A_74 : i32
    %sub3A_76 = arith.constant 64 : i32
    %sub3A_77 = arith.subi %add3A_75, %sub3A_76 : i32
    %jit3A_78 = arith.constant 128 : i32
    %div3A_79 = arith.divsi %sub3A_77, %jit3A_78 : i32
    %sign3A_80 = arith.constant 0 : i32
    %sign3A_81 = arith.cmpi sgt, %sub3A_77, %sign3A_80 : i32
    %sign3A_82 = arith.extui %sign3A_81 : i1 to i32
    %sign3A_83 = arith.constant 0 : i32
    %sign3A_84 = arith.cmpi slt, %sub3A_77, %sign3A_83 : i32
    %sign3A_85 = arith.extui %sign3A_84 : i1 to i32
    %sign3A_86 = arith.subi %sign3A_82, %sign3A_85 : i32
    %sign3A_87 = arith.constant 0 : i32
    %sign3A_88 = arith.cmpi sgt, %jit3A_78, %sign3A_87 : i32
    %sign3A_89 = arith.extui %sign3A_88 : i1 to i32
    %sign3A_90 = arith.constant 0 : i32
    %sign3A_91 = arith.cmpi slt, %jit3A_78, %sign3A_90 : i32
    %sign3A_92 = arith.extui %sign3A_91 : i1 to i32
    %sign3A_93 = arith.subi %sign3A_89, %sign3A_92 : i32
    %ne3A_94 = arith.cmpi ne, %sign3A_86, %sign3A_93 : i32
    %rem3A_95 = arith.remsi %sub3A_77, %jit3A_78 : i32
    %ne3A_96 = arith.constant 0 : i32
    %ne3A_97 = arith.cmpi ne, %rem3A_95, %ne3A_96 : i32
    %and3A_98 = arith.andi %ne3A_94, %ne3A_97 : i1
    %sub3A_99 = arith.constant 1 : i32
    %sub3A_100 = arith.subi %div3A_79, %sub3A_99 : i32
    %select_n3A_101 = arith.select %and3A_98, %sub3A_100, %div3A_79 : i32
    %mul3A_102 = arith.constant 128 : i32
    %mul3A_103 = arith.muli %select_n3A_101, %mul3A_102 : i32
    %multiple_of3A_104 = tpu.assume_multiple %mul3A_103, 128 : i32
    %jit3A_105 = arith.constant 128 : i32
    %eq3A_106 = arith.constant 0 : i32
    %eq3A_107 = arith.cmpi eq, %jit3A_105, %eq3A_106 : i32
    %jit3A_108 = arith.constant 1 : i32
    %select_n3A_109 = arith.select %eq3A_107, %jit3A_108, %jit3A_105 : i32
    %rem3A_110 = arith.remsi %sub3A_77, %select_n3A_109 : i32
    %ne3A_111 = arith.constant 0 : i32
    %ne3A_112 = arith.cmpi ne, %rem3A_110, %ne3A_111 : i32
    %lt3A_113 = arith.constant 0 : i32
    %lt3A_114 = arith.cmpi slt, %rem3A_110, %lt3A_113 : i32
    %lt3A_115 = arith.constant 0 : i32
    %lt3A_116 = arith.cmpi slt, %select_n3A_109, %lt3A_115 : i32
    %ne3A_117 = arith.xori %lt3A_114, %lt3A_116 : i1
    %and3A_118 = arith.andi %ne3A_117, %ne3A_112 : i1
    %add3A_119 = arith.addi %rem3A_110, %select_n3A_109 : i32
    %select_n3A_120 = arith.select %and3A_118, %add3A_119, %rem3A_110 : i32
    %get3A_121 = arith.constant 0 : index
    %get3A_122 = arith.index_cast %multiple_of3A_104 : i32 to index
    %get3A_123 = vector.load %arg5[%get3A_121, %get3A_122] : memref<128x384xf32, #tpu.memory_space<vmem>>, vector<128x128xf32>
    %add3A_124 = arith.constant 128 : i32
    %add3A_125 = arith.addi %multiple_of3A_104, %add3A_124 : i32
    %get3A_126 = arith.constant 0 : index
    %get3A_127 = arith.index_cast %add3A_125 : i32 to index
    %get3A_128 = vector.load %arg5[%get3A_126, %get3A_127] : memref<128x384xf32, #tpu.memory_space<vmem>>, vector<128x128xf32>
    %sub3A_129 = arith.constant 128 : i32
    %sub3A_130 = arith.subi %sub3A_129, %select_n3A_120 : i32
    %lt3A_131 = vector.broadcast %sub3A_130 : i32 to vector<128x128xi32>
    %lt3A_132 = arith.cmpi slt, %iota3A, %lt3A_131 : vector<128x128xi32>
    %neg3A_133 = arith.constant 0 : i32
    %neg3A_134 = arith.subi %neg3A_133, %select_n3A_120 : i32
    %roll3A_135 = tpu.dynamic_rotate %get3A_123 by %neg3A_134 dim 1 : vector<128x128xf32>, i32 -> vector<128x128xf32>
    %neg3A_136 = arith.constant 0 : i32
    %neg3A_137 = arith.subi %neg3A_136, %select_n3A_120 : i32
    %roll3A_138 = tpu.dynamic_rotate %get3A_128 by %neg3A_137 dim 1 : vector<128x128xf32>, i32 -> vector<128x128xf32>
    %select_n3A_139 = arith.select %lt3A_132, %roll3A_135, %roll3A_138 : vector<128x128xi1>, vector<128x128xf32>
    %reshape3A_140 = vector.shape_cast %select_n3A_139 : vector<128x128xf32> to vector<16x8x128xf32>
    %swap3A_141 = arith.constant 0 : index
    %swap3A_142 = arith.constant 1 : index
    %swap3A_143 = arith.constant 0 : index
    %swap3A_144 = arith.constant 0 : index
    %swap3A_145 = arith.constant 0 : index
    %swap3A_146 = vector.load %arg3[%swap3A_141, %swap3A_142, %swap3A_143, %swap3A_144, %swap3A_145] : memref<1x16x16x8x128xf32, #tpu.memory_space<vmem>>, vector<1x1x16x8x128xf32>
    %swap3A_147 = vector.shape_cast %swap3A_146 : vector<1x1x16x8x128xf32> to vector<16x8x128xf32>
    %swap3A_148 = vector.shape_cast %reshape3A_140 : vector<16x8x128xf32> to vector<1x1x16x8x128xf32>
    tpu.vector_store %arg3[%swap3A_141, %swap3A_142, %swap3A_143, %swap3A_144, %swap3A_145], %swap3A_148 {strides = array<i32>} : memref<1x16x16x8x128xf32, #tpu.memory_space<vmem>>, vector<1x1x16x8x128xf32>,
    %swap3A_149 = arith.constant 0 : index
    %swap3A_150 = arith.constant 1 : index
    %swap3A_151 = arith.constant 0 : index
    %swap3A_152 = arith.constant 0 : index
    %swap3A_153 = arith.constant 0 : index
    %swap3A_154 = vector.load %arg4[%swap3A_149, %swap3A_150, %swap3A_151, %swap3A_152, %swap3A_153] : memref<1x16x16x8x128xf32, #tpu.memory_space<vmem>>, vector<1x1x16x8x128xf32>
    %swap3A_155 = vector.shape_cast %swap3A_154 : vector<1x1x16x8x128xf32> to vector<16x8x128xf32>
    %swap3A_156 = vector.shape_cast %reshape3A_140 : vector<16x8x128xf32> to vector<1x1x16x8x128xf32>
    tpu.vector_store %arg4[%swap3A_149, %swap3A_150, %swap3A_151, %swap3A_152, %swap3A_153], %swap3A_156 {strides = array<i32>} : memref<1x16x16x8x128xf32, #tpu.memory_space<vmem>>, vector<1x1x16x8x128xf32>,
    %add3A_157 = arith.constant 2 : i32
    %add3A_158 = arith.addi %mul3A_2, %add3A_157 : i32
    %add3A_159 = arith.constant 128 : i32
    %add3A_160 = arith.addi %add3A_158, %add3A_159 : i32
    %sub3A_161 = arith.constant 64 : i32
    %sub3A_162 = arith.subi %add3A_160, %sub3A_161 : i32
    %jit3A_163 = arith.constant 128 : i32
    %div3A_164 = arith.divsi %sub3A_162, %jit3A_163 : i32
    %sign3A_165 = arith.constant 0 : i32
    %sign3A_166 = arith.cmpi sgt, %sub3A_162, %sign3A_165 : i32
    %sign3A_167 = arith.extui %sign3A_166 : i1 to i32
    %sign3A_168 = arith.constant 0 : i32
    %sign3A_169 = arith.cmpi slt, %sub3A_162, %sign3A_168 : i32
    %sign3A_170 = arith.extui %sign3A_169 : i1 to i32
    %sign3A_171 = arith.subi %sign3A_167, %sign3A_170 : i32
    %sign3A_172 = arith.constant 0 : i32
    %sign3A_173 = arith.cmpi sgt, %jit3A_163, %sign3A_172 : i32
    %sign3A_174 = arith.extui %sign3A_173 : i1 to i32
    %sign3A_175 = arith.constant 0 : i32
    %sign3A_176 = arith.cmpi slt, %jit3A_163, %sign3A_175 : i32
    %sign3A_177 = arith.extui %sign3A_176 : i1 to i32
    %sign3A_178 = arith.subi %sign3A_174, %sign3A_177 : i32
    %ne3A_179 = arith.cmpi ne, %sign3A_171, %sign3A_178 : i32
    %rem3A_180 = arith.remsi %sub3A_162, %jit3A_163 : i32
    %ne3A_181 = arith.constant 0 : i32
    %ne3A_182 = arith.cmpi ne, %rem3A_180, %ne3A_181 : i32
    %and3A_183 = arith.andi %ne3A_179, %ne3A_182 : i1
    %sub3A_184 = arith.constant 1 : i32
    %sub3A_185 = arith.subi %div3A_164, %sub3A_184 : i32
    %select_n3A_186 = arith.select %and3A_183, %sub3A_185, %div3A_164 : i32
    %mul3A_187 = arith.constant 128 : i32
    %mul3A_188 = arith.muli %select_n3A_186, %mul3A_187 : i32
    %multiple_of3A_189 = tpu.assume_multiple %mul3A_188, 128 : i32
    %jit3A_190 = arith.constant 128 : i32
    %eq3A_191 = arith.constant 0 : i32
    %eq3A_192 = arith.cmpi eq, %jit3A_190, %eq3A_191 : i32
    %jit3A_193 = arith.constant 1 : i32
    %select_n3A_194 = arith.select %eq3A_192, %jit3A_193, %jit3A_190 : i32
    %rem3A_195 = arith.remsi %sub3A_162, %select_n3A_194 : i32
    %ne3A_196 = arith.constant 0 : i32
    %ne3A_197 = arith.cmpi ne, %rem3A_195, %ne3A_196 : i32
    %lt3A_198 = arith.constant 0 : i32
    %lt3A_199 = arith.cmpi slt, %rem3A_195, %lt3A_198 : i32
    %lt3A_200 = arith.constant 0 : i32
    %lt3A_201 = arith.cmpi slt, %select_n3A_194, %lt3A_200 : i32
    %ne3A_202 = arith.xori %lt3A_199, %lt3A_201 : i1
    %and3A_203 = arith.andi %ne3A_202, %ne3A_197 : i1
    %add3A_204 = arith.addi %rem3A_195, %select_n3A_194 : i32
    %select_n3A_205 = arith.select %and3A_203, %add3A_204, %rem3A_195 : i32
    %get3A_206 = arith.constant 0 : index
    %get3A_207 = arith.index_cast %multiple_of3A_189 : i32 to index
    %get3A_208 = vector.load %arg5[%get3A_206, %get3A_207] : memref<128x384xf32, #tpu.memory_space<vmem>>, vector<128x128xf32>
    %add3A_209 = arith.constant 128 : i32
    %add3A_210 = arith.addi %multiple_of3A_189, %add3A_209 : i32
    %get3A_211 = arith.constant 0 : index
    %get3A_212 = arith.index_cast %add3A_210 : i32 to index
    %get3A_213 = vector.load %arg5[%get3A_211, %get3A_212] : memref<128x384xf32, #tpu.memory_space<vmem>>, vector<128x128xf32>
    %sub3A_214 = arith.constant 128 : i32
    %sub3A_215 = arith.subi %sub3A_214, %select_n3A_205 : i32
    %lt3A_216 = vector.broadcast %sub3A_215 : i32 to vector<128x128xi32>
    %lt3A_217 = arith.cmpi slt, %iota3A, %lt3A_216 : vector<128x128xi32>
    %neg3A_218 = arith.constant 0 : i32
    %neg3A_219 = arith.subi %neg3A_218, %select_n3A_205 : i32
    %roll3A_220 = tpu.dynamic_rotate %get3A_208 by %neg3A_219 dim 1 : vector<128x128xf32>, i32 -> vector<128x128xf32>
    %neg3A_221 = arith.constant 0 : i32
    %neg3A_222 = arith.subi %neg3A_221, %select_n3A_205 : i32
    %roll3A_223 = tpu.dynamic_rotate %get3A_213 by %neg3A_222 dim 1 : vector<128x128xf32>, i32 -> vector<128x128xf32>
    %select_n3A_224 = arith.select %lt3A_217, %roll3A_220, %roll3A_223 : vector<128x128xi1>, vector<128x128xf32>
    %reshape3A_225 = vector.shape_cast %select_n3A_224 : vector<128x128xf32> to vector<16x8x128xf32>
    %swap3A_226 = arith.constant 0 : index
    %swap3A_227 = arith.constant 2 : index
    %swap3A_228 = arith.constant 0 : index
    %swap3A_229 = arith.constant 0 : index
    %swap3A_230 = arith.constant 0 : index
    %swap3A_231 = vector.load %arg3[%swap3A_226, %swap3A_227, %swap3A_228, %swap3A_229, %swap3A_230] : memref<1x16x16x8x128xf32, #tpu.memory_space<vmem>>, vector<1x1x16x8x128xf32>
    %swap3A_232 = vector.shape_cast %swap3A_231 : vector<1x1x16x8x128xf32> to vector<16x8x128xf32>
    %swap3A_233 = vector.shape_cast %reshape3A_225 : vector<16x8x128xf32> to vector<1x1x16x8x128xf32>
    tpu.vector_store %arg3[%swap3A_226, %swap3A_227, %swap3A_228, %swap3A_229, %swap3A_230], %swap3A_233 {strides = array<i32>} : memref<1x16x16x8x128xf32, #tpu.memory_space<vmem>>, vector<1x1x16x8x128xf32>,
    %swap3A_234 = arith.constant 0 : index
    %swap3A_235 = arith.constant 2 : index
    %swap3A_236 = arith.constant 0 : index
    %swap3A_237 = arith.constant 0 : index
    %swap3A_238 = arith.constant 0 : index
    %swap3A_239 = vector.load %arg4[%swap3A_234, %swap3A_235, %swap3A_236, %swap3A_237, %swap3A_238] : memref<1x16x16x8x128xf32, #tpu.memory_space<vmem>>, vector<1x1x16x8x128xf32>
    %swap3A_240 = vector.shape_cast %swap3A_239 : vector<1x1x16x8x128xf32> to vector<16x8x128xf32>
    %swap3A_241 = vector.shape_cast %reshape3A_225 : vector<16x8x128xf32> to vector<1x1x16x8x128xf32>
    tpu.vector_store %arg4[%swap3A_234, %swap3A_235, %swap3A_236, %swap3A_237, %swap3A_238], %swap3A_241 {strides = array<i32>} : memref<1x16x16x8x128xf32, #tpu.memory_space<vmem>>, vector<1x1x16x8x128xf32>,
    %add3A_242 = arith.constant 3 : i32
    %add3A_243 = arith.addi %mul3A_2, %add3A_242 : i32
    %add3A_244 = arith.constant 128 : i32
    %add3A_245 = arith.addi %add3A_243, %add3A_244 : i32
    %sub3A_246 = arith.constant 64 : i32
    %sub3A_247 = arith.subi %add3A_245, %sub3A_246 : i32
    %jit3A_248 = arith.constant 128 : i32
    %div3A_249 = arith.divsi %sub3A_247, %jit3A_248 : i32
    %sign3A_250 = arith.constant 0 : i32
    %sign3A_251 = arith.cmpi sgt, %sub3A_247, %sign3A_250 : i32
    %sign3A_252 = arith.extui %sign3A_251 : i1 to i32
    %sign3A_253 = arith.constant 0 : i32
    %sign3A_254 = arith.cmpi slt, %sub3A_247, %sign3A_253 : i32
    %sign3A_255 = arith.extui %sign3A_254 : i1 to i32
    %sign3A_256 = arith.subi %sign3A_252, %sign3A_255 : i32
    %sign3A_257 = arith.constant 0 : i32
    %sign3A_258 = arith.cmpi sgt, %jit3A_248, %sign3A_257 : i32
    %sign3A_259 = arith.extui %sign3A_258 : i1 to i32
    %sign3A_260 = arith.constant 0 : i32
    %sign3A_261 = arith.cmpi slt, %jit3A_248, %sign3A_260 : i32
    %sign3A_262 = arith.extui %sign3A_261 : i1 to i32
    %sign3A_263 = arith.subi %sign3A_259, %sign3A_262 : i32
    %ne3A_264 = arith.cmpi ne, %sign3A_256, %sign3A_263 : i32
    %rem3A_265 = arith.remsi %sub3A_247, %jit3A_248 : i32
    %ne3A_266 = arith.constant 0 : i32
    %ne3A_267 = arith.cmpi ne, %rem3A_265, %ne3A_266 : i32
    %and3A_268 = arith.andi %ne3A_264, %ne3A_267 : i1
    %sub3A_269 = arith.constant 1 : i32
    %sub3A_270 = arith.subi %div3A_249, %sub3A_269 : i32
    %select_n3A_271 = arith.select %and3A_268, %sub3A_270, %div3A_249 : i32
    %mul3A_272 = arith.constant 128 : i32
    %mul3A_273 = arith.muli %select_n3A_271, %mul3A_272 : i32
    %multiple_of3A_274 = tpu.assume_multiple %mul3A_273, 128 : i32
    %jit3A_275 = arith.constant 128 : i32
    %eq3A_276 = arith.constant 0 : i32
    %eq3A_277 = arith.cmpi eq, %jit3A_275, %eq3A_276 : i32
    %jit3A_278 = arith.constant 1 : i32
    %select_n3A_279 = arith.select %eq3A_277, %jit3A_278, %jit3A_275 : i32
    %rem3A_280 = arith.remsi %sub3A_247, %select_n3A_279 : i32
    %ne3A_281 = arith.constant 0 : i32
    %ne3A_282 = arith.cmpi ne, %rem3A_280, %ne3A_281 : i32
    %lt3A_283 = arith.constant 0 : i32
    %lt3A_284 = arith.cmpi slt, %rem3A_280, %lt3A_283 : i32
    %lt3A_285 = arith.constant 0 : i32
    %lt3A_286 = arith.cmpi slt, %select_n3A_279, %lt3A_285 : i32
    %ne3A_287 = arith.xori %lt3A_284, %lt3A_286 : i1
    %and3A_288 = arith.andi %ne3A_287, %ne3A_282 : i1
    %add3A_289 = arith.addi %rem3A_280, %select_n3A_279 : i32
    %select_n3A_290 = arith.select %and3A_288, %add3A_289, %rem3A_280 : i32
    %get3A_291 = arith.constant 0 : index
    %get3A_292 = arith.index_cast %multiple_of3A_274 : i32 to index
    %get3A_293 = vector.load %arg5[%get3A_291, %get3A_292] : memref<128x384xf32, #tpu.memory_space<vmem>>, vector<128x128xf32>
    %add3A_294 = arith.constant 128 : i32
    %add3A_295 = arith.addi %multiple_of3A_274, %add3A_294 : i32
    %get3A_296 = arith.constant 0 : index
    %get3A_297 = arith.index_cast %add3A_295 : i32 to index
    %get3A_298 = vector.load %arg5[%get3A_296, %get3A_297] : memref<128x384xf32, #tpu.memory_space<vmem>>, vector<128x128xf32>
    %sub3A_299 = arith.constant 128 : i32
    %sub3A_300 = arith.subi %sub3A_299, %select_n3A_290 : i32
    %lt3A_301 = vector.broadcast %sub3A_300 : i32 to vector<128x128xi32>
    %lt3A_302 = arith.cmpi slt, %iota3A, %lt3A_301 : vector<128x128xi32>
    %neg3A_303 = arith.constant 0 : i32
    %neg3A_304 = arith.subi %neg3A_303, %select_n3A_290 : i32
    %roll3A_305 = tpu.dynamic_rotate %get3A_293 by %neg3A_304 dim 1 : vector<128x128xf32>, i32 -> vector<128x128xf32>
    %neg3A_306 = arith.constant 0 : i32
    %neg3A_307 = arith.subi %neg3A_306, %select_n3A_290 : i32
    %roll3A_308 = tpu.dynamic_rotate %get3A_298 by %neg3A_307 dim 1 : vector<128x128xf32>, i32 -> vector<128x128xf32>
    %select_n3A_309 = arith.select %lt3A_302, %roll3A_305, %roll3A_308 : vector<128x128xi1>, vector<128x128xf32>
    %reshape3A_310 = vector.shape_cast %select_n3A_309 : vector<128x128xf32> to vector<16x8x128xf32>
    %swap3A_311 = arith.constant 0 : index
    %swap3A_312 = arith.constant 3 : index
    %swap3A_313 = arith.constant 0 : index
    %swap3A_314 = arith.constant 0 : index
    %swap3A_315 = arith.constant 0 : index
    %swap3A_316 = vector.load %arg3[%swap3A_311, %swap3A_312, %swap3A_313, %swap3A_314, %swap3A_315] : memref<1x16x16x8x128xf32, #tpu.memory_space<vmem>>, vector<1x1x16x8x128xf32>
    %swap3A_317 = vector.shape_cast %swap3A_316 : vector<1x1x16x8x128xf32> to vector<16x8x128xf32>
    %swap3A_318 = vector.shape_cast %reshape3A_310 : vector<16x8x128xf32> to vector<1x1x16x8x128xf32>
    tpu.vector_store %arg3[%swap3A_311, %swap3A_312, %swap3A_313, %swap3A_314, %swap3A_315], %swap3A_318 {strides = array<i32>} : memref<1x16x16x8x128xf32, #tpu.memory_space<vmem>>, vector<1x1x16x8x128xf32>,
    %swap3A_319 = arith.constant 0 : index
    %swap3A_320 = arith.constant 3 : index
    %swap3A_321 = arith.constant 0 : index
    %swap3A_322 = arith.constant 0 : index
    %swap3A_323 = arith.constant 0 : index
    %swap3A_324 = vector.load %arg4[%swap3A_319, %swap3A_320, %swap3A_321, %swap3A_322, %swap3A_323] : memref<1x16x16x8x128xf32, #tpu.memory_space<vmem>>, vector<1x1x16x8x128xf32>
    %swap3A_325 = vector.shape_cast %swap3A_324 : vector<1x1x16x8x128xf32> to vector<16x8x128xf32>
    %swap3A_326 = vector.shape_cast %reshape3A_310 : vector<16x8x128xf32> to vector<1x1x16x8x128xf32>
    tpu.vector_store %arg4[%swap3A_319, %swap3A_320, %swap3A_321, %swap3A_322, %swap3A_323], %swap3A_326 {strides = array<i32>} : memref<1x16x16x8x128xf32, #tpu.memory_space<vmem>>, vector<1x1x16x8x128xf32>,
    %add3A_327 = arith.constant 4 : i32
    %add3A_328 = arith.addi %mul3A_2, %add3A_327 : i32
    %add3A_329 = arith.constant 128 : i32
    %add3A_330 = arith.addi %add3A_328, %add3A_329 : i32
    %sub3A_331 = arith.constant 64 : i32
    %sub3A_332 = arith.subi %add3A_330, %sub3A_331 : i32
    %jit3A_333 = arith.constant 128 : i32
    %div3A_334 = arith.divsi %sub3A_332, %jit3A_333 : i32
    %sign3A_335 = arith.constant 0 : i32
    %sign3A_336 = arith.cmpi sgt, %sub3A_332, %sign3A_335 : i32
    %sign3A_337 = arith.extui %sign3A_336 : i1 to i32
    %sign3A_338 = arith.constant 0 : i32
    %sign3A_339 = arith.cmpi slt, %sub3A_332, %sign3A_338 : i32
    %sign3A_340 = arith.extui %sign3A_339 : i1 to i32
    %sign3A_341 = arith.subi %sign3A_337, %sign3A_340 : i32
    %sign3A_342 = arith.constant 0 : i32
    %sign3A_343 = arith.cmpi sgt, %jit3A_333, %sign3A_342 : i32
    %sign3A_344 = arith.extui %sign3A_343 : i1 to i32
    %sign3A_345 = arith.constant 0 : i32
    %sign3A_346 = arith.cmpi slt, %jit3A_333, %sign3A_345 : i32
    %sign3A_347 = arith.extui %sign3A_346 : i1 to i32
    %sign3A_348 = arith.subi %sign3A_344, %sign3A_347 : i32
    %ne3A_349 = arith.cmpi ne, %sign3A_341, %sign3A_348 : i32
    %rem3A_350 = arith.remsi %sub3A_332, %jit3A_333 : i32
    %ne3A_351 = arith.constant 0 : i32
    %ne3A_352 = arith.cmpi ne, %rem3A_350, %ne3A_351 : i32
    %and3A_353 = arith.andi %ne3A_349, %ne3A_352 : i1
    %sub3A_354 = arith.constant 1 : i32
    %sub3A_355 = arith.subi %div3A_334, %sub3A_354 : i32
    %select_n3A_356 = arith.select %and3A_353, %sub3A_355, %div3A_334 : i32
    %mul3A_357 = arith.constant 128 : i32
    %mul3A_358 = arith.muli %select_n3A_356, %mul3A_357 : i32
    %multiple_of3A_359 = tpu.assume_multiple %mul3A_358, 128 : i32
    %jit3A_360 = arith.constant 128 : i32
    %eq3A_361 = arith.constant 0 : i32
    %eq3A_362 = arith.cmpi eq, %jit3A_360, %eq3A_361 : i32
    %jit3A_363 = arith.constant 1 : i32
    %select_n3A_364 = arith.select %eq3A_362, %jit3A_363, %jit3A_360 : i32
    %rem3A_365 = arith.remsi %sub3A_332, %select_n3A_364 : i32
    %ne3A_366 = arith.constant 0 : i32
    %ne3A_367 = arith.cmpi ne, %rem3A_365, %ne3A_366 : i32
    %lt3A_368 = arith.constant 0 : i32
    %lt3A_369 = arith.cmpi slt, %rem3A_365, %lt3A_368 : i32
    %lt3A_370 = arith.constant 0 : i32
    %lt3A_371 = arith.cmpi slt, %select_n3A_364, %lt3A_370 : i32
    %ne3A_372 = arith.xori %lt3A_369, %lt3A_371 : i1
    %and3A_373 = arith.andi %ne3A_372, %ne3A_367 : i1
    %add3A_374 = arith.addi %rem3A_365, %select_n3A_364 : i32
    %select_n3A_375 = arith.select %and3A_373, %add3A_374, %rem3A_365 : i32
    %get3A_376 = arith.constant 0 : index
    %get3A_377 = arith.index_cast %multiple_of3A_359 : i32 to index
    %get3A_378 = vector.load %arg5[%get3A_376, %get3A_377] : memref<128x384xf32, #tpu.memory_space<vmem>>, vector<128x128xf32>
    %add3A_379 = arith.constant 128 : i32
    %add3A_380 = arith.addi %multiple_of3A_359, %add3A_379 : i32
    %get3A_381 = arith.constant 0 : index
    %get3A_382 = arith.index_cast %add3A_380 : i32 to index
    %get3A_383 = vector.load %arg5[%get3A_381, %get3A_382] : memref<128x384xf32, #tpu.memory_space<vmem>>, vector<128x128xf32>
    %sub3A_384 = arith.constant 128 : i32
    %sub3A_385 = arith.subi %sub3A_384, %select_n3A_375 : i32
    %lt3A_386 = vector.broadcast %sub3A_385 : i32 to vector<128x128xi32>
    %lt3A_387 = arith.cmpi slt, %iota3A, %lt3A_386 : vector<128x128xi32>
    %neg3A_388 = arith.constant 0 : i32
    %neg3A_389 = arith.subi %neg3A_388, %select_n3A_375 : i32
    %roll3A_390 = tpu.dynamic_rotate %get3A_378 by %neg3A_389 dim 1 : vector<128x128xf32>, i32 -> vector<128x128xf32>
    %neg3A_391 = arith.constant 0 : i32
    %neg3A_392 = arith.subi %neg3A_391, %select_n3A_375 : i32
    %roll3A_393 = tpu.dynamic_rotate %get3A_383 by %neg3A_392 dim 1 : vector<128x128xf32>, i32 -> vector<128x128xf32>
    %select_n3A_394 = arith.select %lt3A_387, %roll3A_390, %roll3A_393 : vector<128x128xi1>, vector<128x128xf32>
    %reshape3A_395 = vector.shape_cast %select_n3A_394 : vector<128x128xf32> to vector<16x8x128xf32>
    %swap3A_396 = arith.constant 0 : index
    %swap3A_397 = arith.constant 4 : index
    %swap3A_398 = arith.constant 0 : index
    %swap3A_399 = arith.constant 0 : index
    %swap3A_400 = arith.constant 0 : index
    %swap3A_401 = vector.load %arg3[%swap3A_396, %swap3A_397, %swap3A_398, %swap3A_399, %swap3A_400] : memref<1x16x16x8x128xf32, #tpu.memory_space<vmem>>, vector<1x1x16x8x128xf32>
    %swap3A_402 = vector.shape_cast %swap3A_401 : vector<1x1x16x8x128xf32> to vector<16x8x128xf32>
    %swap3A_403 = vector.shape_cast %reshape3A_395 : vector<16x8x128xf32> to vector<1x1x16x8x128xf32>
    tpu.vector_store %arg3[%swap3A_396, %swap3A_397, %swap3A_398, %swap3A_399, %swap3A_400], %swap3A_403 {strides = array<i32>} : memref<1x16x16x8x128xf32, #tpu.memory_space<vmem>>, vector<1x1x16x8x128xf32>,
    %swap3A_404 = arith.constant 0 : index
    %swap3A_405 = arith.constant 4 : index
    %swap3A_406 = arith.constant 0 : index
    %swap3A_407 = arith.constant 0 : index
    %swap3A_408 = arith.constant 0 : index
    %swap3A_409 = vector.load %arg4[%swap3A_404, %swap3A_405, %swap3A_406, %swap3A_407, %swap3A_408] : memref<1x16x16x8x128xf32, #tpu.memory_space<vmem>>, vector<1x1x16x8x128xf32>
    %swap3A_410 = vector.shape_cast %swap3A_409 : vector<1x1x16x8x128xf32> to vector<16x8x128xf32>
    %swap3A_411 = vector.shape_cast %reshape3A_395 : vector<16x8x128xf32> to vector<1x1x16x8x128xf32>
    tpu.vector_store %arg4[%swap3A_404, %swap3A_405, %swap3A_406, %swap3A_407, %swap3A_408], %swap3A_411 {strides = array<i32>} : memref<1x16x16x8x128xf32, #tpu.memory_space<vmem>>, vector<1x1x16x8x128xf32>,
    %add3A_412 = arith.constant 5 : i32
    %add3A_413 = arith.addi %mul3A_2, %add3A_412 : i32
    %add3A_414 = arith.constant 128 : i32
    %add3A_415 = arith.addi %add3A_413, %add3A_414 : i32
    %sub3A_416 = arith.constant 64 : i32
    %sub3A_417 = arith.subi %add3A_415, %sub3A_416 : i32
    %jit3A_418 = arith.constant 128 : i32
    %div3A_419 = arith.divsi %sub3A_417, %jit3A_418 : i32
    %sign3A_420 = arith.constant 0 : i32
    %sign3A_421 = arith.cmpi sgt, %sub3A_417, %sign3A_420 : i32
    %sign3A_422 = arith.extui %sign3A_421 : i1 to i32
    %sign3A_423 = arith.constant 0 : i32
    %sign3A_424 = arith.cmpi slt, %sub3A_417, %sign3A_423 : i32
    %sign3A_425 = arith.extui %sign3A_424 : i1 to i32
    %sign3A_426 = arith.subi %sign3A_422, %sign3A_425 : i32
    %sign3A_427 = arith.constant 0 : i32
    %sign3A_428 = arith.cmpi sgt, %jit3A_418, %sign3A_427 : i32
    %sign3A_429 = arith.extui %sign3A_428 : i1 to i32
    %sign3A_430 = arith.constant 0 : i32
    %sign3A_431 = arith.cmpi slt, %jit3A_418, %sign3A_430 : i32
    %sign3A_432 = arith.extui %sign3A_431 : i1 to i32
    %sign3A_433 = arith.subi %sign3A_429, %sign3A_432 : i32
    %ne3A_434 = arith.cmpi ne, %sign3A_426, %sign3A_433 : i32
    %rem3A_435 = arith.remsi %sub3A_417, %jit3A_418 : i32
    %ne3A_436 = arith.constant 0 : i32
    %ne3A_437 = arith.cmpi ne, %rem3A_435, %ne3A_436 : i32
    %and3A_438 = arith.andi %ne3A_434, %ne3A_437 : i1
    %sub3A_439 = arith.constant 1 : i32
    %sub3A_440 = arith.subi %div3A_419, %sub3A_439 : i32
    %select_n3A_441 = arith.select %and3A_438, %sub3A_440, %div3A_419 : i32
    %mul3A_442 = arith.constant 128 : i32
    %mul3A_443 = arith.muli %select_n3A_441, %mul3A_442 : i32
    %multiple_of3A_444 = tpu.assume_multiple %mul3A_443, 128 : i32
    %jit3A_445 = arith.constant 128 : i32
    %eq3A_446 = arith.constant 0 : i32
    %eq3A_447 = arith.cmpi eq, %jit3A_445, %eq3A_446 : i32
    %jit3A_448 = arith.constant 1 : i32
    %select_n3A_449 = arith.select %eq3A_447, %jit3A_448, %jit3A_445 : i32
    %rem3A_450 = arith.remsi %sub3A_417, %select_n3A_449 : i32
    %ne3A_451 = arith.constant 0 : i32
    %ne3A_452 = arith.cmpi ne, %rem3A_450, %ne3A_451 : i32
    %lt3A_453 = arith.constant 0 : i32
    %lt3A_454 = arith.cmpi slt, %rem3A_450, %lt3A_453 : i32
    %lt3A_455 = arith.constant 0 : i32
    %lt3A_456 = arith.cmpi slt, %select_n3A_449, %lt3A_455 : i32
    %ne3A_457 = arith.xori %lt3A_454, %lt3A_456 : i1
    %and3A_458 = arith.andi %ne3A_457, %ne3A_452 : i1
    %add3A_459 = arith.addi %rem3A_450, %select_n3A_449 : i32
    %select_n3A_460 = arith.select %and3A_458, %add3A_459, %rem3A_450 : i32
    %get3A_461 = arith.constant 0 : index
    %get3A_462 = arith.index_cast %multiple_of3A_444 : i32 to index
    %get3A_463 = vector.load %arg5[%get3A_461, %get3A_462] : memref<128x384xf32, #tpu.memory_space<vmem>>, vector<128x128xf32>
    %add3A_464 = arith.constant 128 : i32
    %add3A_465 = arith.addi %multiple_of3A_444, %add3A_464 : i32
    %get3A_466 = arith.constant 0 : index
    %get3A_467 = arith.index_cast %add3A_465 : i32 to index
    %get3A_468 = vector.load %arg5[%get3A_466, %get3A_467] : memref<128x384xf32, #tpu.memory_space<vmem>>, vector<128x128xf32>
    %sub3A_469 = arith.constant 128 : i32
    %sub3A_470 = arith.subi %sub3A_469, %select_n3A_460 : i32
    %lt3A_471 = vector.broadcast %sub3A_470 : i32 to vector<128x128xi32>
    %lt3A_472 = arith.cmpi slt, %iota3A, %lt3A_471 : vector<128x128xi32>
    %neg3A_473 = arith.constant 0 : i32
    %neg3A_474 = arith.subi %neg3A_473, %select_n3A_460 : i32
    %roll3A_475 = tpu.dynamic_rotate %get3A_463 by %neg3A_474 dim 1 : vector<128x128xf32>, i32 -> vector<128x128xf32>
    %neg3A_476 = arith.constant 0 : i32
    %neg3A_477 = arith.subi %neg3A_476, %select_n3A_460 : i32
    %roll3A_478 = tpu.dynamic_rotate %get3A_468 by %neg3A_477 dim 1 : vector<128x128xf32>, i32 -> vector<128x128xf32>
    %select_n3A_479 = arith.select %lt3A_472, %roll3A_475, %roll3A_478 : vector<128x128xi1>, vector<128x128xf32>
    %reshape3A_480 = vector.shape_cast %select_n3A_479 : vector<128x128xf32> to vector<16x8x128xf32>
    %swap3A_481 = arith.constant 0 : index
    %swap3A_482 = arith.constant 5 : index
    %swap3A_483 = arith.constant 0 : index
    %swap3A_484 = arith.constant 0 : index
    %swap3A_485 = arith.constant 0 : index
    %swap3A_486 = vector.load %arg3[%swap3A_481, %swap3A_482, %swap3A_483, %swap3A_484, %swap3A_485] : memref<1x16x16x8x128xf32, #tpu.memory_space<vmem>>, vector<1x1x16x8x128xf32>
    %swap3A_487 = vector.shape_cast %swap3A_486 : vector<1x1x16x8x128xf32> to vector<16x8x128xf32>
    %swap3A_488 = vector.shape_cast %reshape3A_480 : vector<16x8x128xf32> to vector<1x1x16x8x128xf32>
    tpu.vector_store %arg3[%swap3A_481, %swap3A_482, %swap3A_483, %swap3A_484, %swap3A_485], %swap3A_488 {strides = array<i32>} : memref<1x16x16x8x128xf32, #tpu.memory_space<vmem>>, vector<1x1x16x8x128xf32>,
    %swap3A_489 = arith.constant 0 : index
    %swap3A_490 = arith.constant 5 : index
    %swap3A_491 = arith.constant 0 : index
    %swap3A_492 = arith.constant 0 : index
    %swap3A_493 = arith.constant 0 : index
    %swap3A_494 = vector.load %arg4[%swap3A_489, %swap3A_490, %swap3A_491, %swap3A_492, %swap3A_493] : memref<1x16x16x8x128xf32, #tpu.memory_space<vmem>>, vector<1x1x16x8x128xf32>
    %swap3A_495 = vector.shape_cast %swap3A_494 : vector<1x1x16x8x128xf32> to vector<16x8x128xf32>
    %swap3A_496 = vector.shape_cast %reshape3A_480 : vector<16x8x128xf32> to vector<1x1x16x8x128xf32>
    tpu.vector_store %arg4[%swap3A_489, %swap3A_490, %swap3A_491, %swap3A_492, %swap3A_493], %swap3A_496 {strides = array<i32>} : memref<1x16x16x8x128xf32, #tpu.memory_space<vmem>>, vector<1x1x16x8x128xf32>,
    %add3A_497 = arith.constant 6 : i32
    %add3A_498 = arith.addi %mul3A_2, %add3A_497 : i32
    %add3A_499 = arith.constant 128 : i32
    %add3A_500 = arith.addi %add3A_498, %add3A_499 : i32
    %sub3A_501 = arith.constant 64 : i32
    %sub3A_502 = arith.subi %add3A_500, %sub3A_501 : i32
    %jit3A_503 = arith.constant 128 : i32
    %div3A_504 = arith.divsi %sub3A_502, %jit3A_503 : i32
    %sign3A_505 = arith.constant 0 : i32
    %sign3A_506 = arith.cmpi sgt, %sub3A_502, %sign3A_505 : i32
    %sign3A_507 = arith.extui %sign3A_506 : i1 to i32
    %sign3A_508 = arith.constant 0 : i32
    %sign3A_509 = arith.cmpi slt, %sub3A_502, %sign3A_508 : i32
    %sign3A_510 = arith.extui %sign3A_509 : i1 to i32
    %sign3A_511 = arith.subi %sign3A_507, %sign3A_510 : i32
    %sign3A_512 = arith.constant 0 : i32
    %sign3A_513 = arith.cmpi sgt, %jit3A_503, %sign3A_512 : i32
    %sign3A_514 = arith.extui %sign3A_513 : i1 to i32
    %sign3A_515 = arith.constant 0 : i32
    %sign3A_516 = arith.cmpi slt, %jit3A_503, %sign3A_515 : i32
    %sign3A_517 = arith.extui %sign3A_516 : i1 to i32
    %sign3A_518 = arith.subi %sign3A_514, %sign3A_517 : i32
    %ne3A_519 = arith.cmpi ne, %sign3A_511, %sign3A_518 : i32
    %rem3A_520 = arith.remsi %sub3A_502, %jit3A_503 : i32
    %ne3A_521 = arith.constant 0 : i32
    %ne3A_522 = arith.cmpi ne, %rem3A_520, %ne3A_521 : i32
    %and3A_523 = arith.andi %ne3A_519, %ne3A_522 : i1
    %sub3A_524 = arith.constant 1 : i32
    %sub3A_525 = arith.subi %div3A_504, %sub3A_524 : i32
    %select_n3A_526 = arith.select %and3A_523, %sub3A_525, %div3A_504 : i32
    %mul3A_527 = arith.constant 128 : i32
    %mul3A_528 = arith.muli %select_n3A_526, %mul3A_527 : i32
    %multiple_of3A_529 = tpu.assume_multiple %mul3A_528, 128 : i32
    %jit3A_530 = arith.constant 128 : i32
    %eq3A_531 = arith.constant 0 : i32
    %eq3A_532 = arith.cmpi eq, %jit3A_530, %eq3A_531 : i32
    %jit3A_533 = arith.constant 1 : i32
    %select_n3A_534 = arith.select %eq3A_532, %jit3A_533, %jit3A_530 : i32
    %rem3A_535 = arith.remsi %sub3A_502, %select_n3A_534 : i32
    %ne3A_536 = arith.constant 0 : i32
    %ne3A_537 = arith.cmpi ne, %rem3A_535, %ne3A_536 : i32
    %lt3A_538 = arith.constant 0 : i32
    %lt3A_539 = arith.cmpi slt, %rem3A_535, %lt3A_538 : i32
    %lt3A_540 = arith.constant 0 : i32
    %lt3A_541 = arith.cmpi slt, %select_n3A_534, %lt3A_540 : i32
    %ne3A_542 = arith.xori %lt3A_539, %lt3A_541 : i1
    %and3A_543 = arith.andi %ne3A_542, %ne3A_537 : i1
    %add3A_544 = arith.addi %rem3A_535, %select_n3A_534 : i32
    %select_n3A_545 = arith.select %and3A_543, %add3A_544, %rem3A_535 : i32
    %get3A_546 = arith.constant 0 : index
    %get3A_547 = arith.index_cast %multiple_of3A_529 : i32 to index
    %get3A_548 = vector.load %arg5[%get3A_546, %get3A_547] : memref<128x384xf32, #tpu.memory_space<vmem>>, vector<128x128xf32>
    %add3A_549 = arith.constant 128 : i32
    %add3A_550 = arith.addi %multiple_of3A_529, %add3A_549 : i32
    %get3A_551 = arith.constant 0 : index
    %get3A_552 = arith.index_cast %add3A_550 : i32 to index
    %get3A_553 = vector.load %arg5[%get3A_551, %get3A_552] : memref<128x384xf32, #tpu.memory_space<vmem>>, vector<128x128xf32>
    %sub3A_554 = arith.constant 128 : i32
    %sub3A_555 = arith.subi %sub3A_554, %select_n3A_545 : i32
    %lt3A_556 = vector.broadcast %sub3A_555 : i32 to vector<128x128xi32>
    %lt3A_557 = arith.cmpi slt, %iota3A, %lt3A_556 : vector<128x128xi32>
    %neg3A_558 = arith.constant 0 : i32
    %neg3A_559 = arith.subi %neg3A_558, %select_n3A_545 : i32
    %roll3A_560 = tpu.dynamic_rotate %get3A_548 by %neg3A_559 dim 1 : vector<128x128xf32>, i32 -> vector<128x128xf32>
    %neg3A_561 = arith.constant 0 : i32
    %neg3A_562 = arith.subi %neg3A_561, %select_n3A_545 : i32
    %roll3A_563 = tpu.dynamic_rotate %get3A_553 by %neg3A_562 dim 1 : vector<128x128xf32>, i32 -> vector<128x128xf32>
    %select_n3A_564 = arith.select %lt3A_557, %roll3A_560, %roll3A_563 : vector<128x128xi1>, vector<128x128xf32>
    %reshape3A_565 = vector.shape_cast %select_n3A_564 : vector<128x128xf32> to vector<16x8x128xf32>
    %swap3A_566 = arith.constant 0 : index
    %swap3A_567 = arith.constant 6 : index
    %swap3A_568 = arith.constant 0 : index
    %swap3A_569 = arith.constant 0 : index
    %swap3A_570 = arith.constant 0 : index
    %swap3A_571 = vector.load %arg3[%swap3A_566, %swap3A_567, %swap3A_568, %swap3A_569, %swap3A_570] : memref<1x16x16x8x128xf32, #tpu.memory_space<vmem>>, vector<1x1x16x8x128xf32>
    %swap3A_572 = vector.shape_cast %swap3A_571 : vector<1x1x16x8x128xf32> to vector<16x8x128xf32>
    %swap3A_573 = vector.shape_cast %reshape3A_565 : vector<16x8x128xf32> to vector<1x1x16x8x128xf32>
    tpu.vector_store %arg3[%swap3A_566, %swap3A_567, %swap3A_568, %swap3A_569, %swap3A_570], %swap3A_573 {strides = array<i32>} : memref<1x16x16x8x128xf32, #tpu.memory_space<vmem>>, vector<1x1x16x8x128xf32>,
    %swap3A_574 = arith.constant 0 : index
    %swap3A_575 = arith.constant 6 : index
    %swap3A_576 = arith.constant 0 : index
    %swap3A_577 = arith.constant 0 : index
    %swap3A_578 = arith.constant 0 : index
    %swap3A_579 = vector.load %arg4[%swap3A_574, %swap3A_575, %swap3A_576, %swap3A_577, %swap3A_578] : memref<1x16x16x8x128xf32, #tpu.memory_space<vmem>>, vector<1x1x16x8x128xf32>
    %swap3A_580 = vector.shape_cast %swap3A_579 : vector<1x1x16x8x128xf32> to vector<16x8x128xf32>
    %swap3A_581 = vector.shape_cast %reshape3A_565 : vector<16x8x128xf32> to vector<1x1x16x8x128xf32>
    tpu.vector_store %arg4[%swap3A_574, %swap3A_575, %swap3A_576, %swap3A_577, %swap3A_578], %swap3A_581 {strides = array<i32>} : memref<1x16x16x8x128xf32, #tpu.memory_space<vmem>>, vector<1x1x16x8x128xf32>,
    %add3A_582 = arith.constant 7 : i32
    %add3A_583 = arith.addi %mul3A_2, %add3A_582 : i32
    %add3A_584 = arith.constant 128 : i32
    %add3A_585 = arith.addi %add3A_583, %add3A_584 : i32
    %sub3A_586 = arith.constant 64 : i32
    %sub3A_587 = arith.subi %add3A_585, %sub3A_586 : i32
    %jit3A_588 = arith.constant 128 : i32
    %div3A_589 = arith.divsi %sub3A_587, %jit3A_588 : i32
    %sign3A_590 = arith.constant 0 : i32
    %sign3A_591 = arith.cmpi sgt, %sub3A_587, %sign3A_590 : i32
    %sign3A_592 = arith.extui %sign3A_591 : i1 to i32
    %sign3A_593 = arith.constant 0 : i32
    %sign3A_594 = arith.cmpi slt, %sub3A_587, %sign3A_593 : i32
    %sign3A_595 = arith.extui %sign3A_594 : i1 to i32
    %sign3A_596 = arith.subi %sign3A_592, %sign3A_595 : i32
    %sign3A_597 = arith.constant 0 : i32
    %sign3A_598 = arith.cmpi sgt, %jit3A_588, %sign3A_597 : i32
    %sign3A_599 = arith.extui %sign3A_598 : i1 to i32
    %sign3A_600 = arith.constant 0 : i32
    %sign3A_601 = arith.cmpi slt, %jit3A_588, %sign3A_600 : i32
    %sign3A_602 = arith.extui %sign3A_601 : i1 to i32
    %sign3A_603 = arith.subi %sign3A_599, %sign3A_602 : i32
    %ne3A_604 = arith.cmpi ne, %sign3A_596, %sign3A_603 : i32
    %rem3A_605 = arith.remsi %sub3A_587, %jit3A_588 : i32
    %ne3A_606 = arith.constant 0 : i32
    %ne3A_607 = arith.cmpi ne, %rem3A_605, %ne3A_606 : i32
    %and3A_608 = arith.andi %ne3A_604, %ne3A_607 : i1
    %sub3A_609 = arith.constant 1 : i32
    %sub3A_610 = arith.subi %div3A_589, %sub3A_609 : i32
    %select_n3A_611 = arith.select %and3A_608, %sub3A_610, %div3A_589 : i32
    %mul3A_612 = arith.constant 128 : i32
    %mul3A_613 = arith.muli %select_n3A_611, %mul3A_612 : i32
    %multiple_of3A_614 = tpu.assume_multiple %mul3A_613, 128 : i32
    %jit3A_615 = arith.constant 128 : i32
    %eq3A_616 = arith.constant 0 : i32
    %eq3A_617 = arith.cmpi eq, %jit3A_615, %eq3A_616 : i32
    %jit3A_618 = arith.constant 1 : i32
    %select_n3A_619 = arith.select %eq3A_617, %jit3A_618, %jit3A_615 : i32
    %rem3A_620 = arith.remsi %sub3A_587, %select_n3A_619 : i32
    %ne3A_621 = arith.constant 0 : i32
    %ne3A_622 = arith.cmpi ne, %rem3A_620, %ne3A_621 : i32
    %lt3A_623 = arith.constant 0 : i32
    %lt3A_624 = arith.cmpi slt, %rem3A_620, %lt3A_623 : i32
    %lt3A_625 = arith.constant 0 : i32
    %lt3A_626 = arith.cmpi slt, %select_n3A_619, %lt3A_625 : i32
    %ne3A_627 = arith.xori %lt3A_624, %lt3A_626 : i1
    %and3A_628 = arith.andi %ne3A_627, %ne3A_622 : i1
    %add3A_629 = arith.addi %rem3A_620, %select_n3A_619 : i32
    %select_n3A_630 = arith.select %and3A_628, %add3A_629, %rem3A_620 : i32
    %get3A_631 = arith.constant 0 : index
    %get3A_632 = arith.index_cast %multiple_of3A_614 : i32 to index
    %get3A_633 = vector.load %arg5[%get3A_631, %get3A_632] : memref<128x384xf32, #tpu.memory_space<vmem>>, vector<128x128xf32>
    %add3A_634 = arith.constant 128 : i32
    %add3A_635 = arith.addi %multiple_of3A_614, %add3A_634 : i32
    %get3A_636 = arith.constant 0 : index
    %get3A_637 = arith.index_cast %add3A_635 : i32 to index
    %get3A_638 = vector.load %arg5[%get3A_636, %get3A_637] : memref<128x384xf32, #tpu.memory_space<vmem>>, vector<128x128xf32>
    %sub3A_639 = arith.constant 128 : i32
    %sub3A_640 = arith.subi %sub3A_639, %select_n3A_630 : i32
    %lt3A_641 = vector.broadcast %sub3A_640 : i32 to vector<128x128xi32>
    %lt3A_642 = arith.cmpi slt, %iota3A, %lt3A_641 : vector<128x128xi32>
    %neg3A_643 = arith.constant 0 : i32
    %neg3A_644 = arith.subi %neg3A_643, %select_n3A_630 : i32
    %roll3A_645 = tpu.dynamic_rotate %get3A_633 by %neg3A_644 dim 1 : vector<128x128xf32>, i32 -> vector<128x128xf32>
    %neg3A_646 = arith.constant 0 : i32
    %neg3A_647 = arith.subi %neg3A_646, %select_n3A_630 : i32
    %roll3A_648 = tpu.dynamic_rotate %get3A_638 by %neg3A_647 dim 1 : vector<128x128xf32>, i32 -> vector<128x128xf32>
    %select_n3A_649 = arith.select %lt3A_642, %roll3A_645, %roll3A_648 : vector<128x128xi1>, vector<128x128xf32>
    %reshape3A_650 = vector.shape_cast %select_n3A_649 : vector<128x128xf32> to vector<16x8x128xf32>
    %swap3A_651 = arith.constant 0 : index
    %swap3A_652 = arith.constant 7 : index
    %swap3A_653 = arith.constant 0 : index
    %swap3A_654 = arith.constant 0 : index
    %swap3A_655 = arith.constant 0 : index
    %swap3A_656 = vector.load %arg3[%swap3A_651, %swap3A_652, %swap3A_653, %swap3A_654, %swap3A_655] : memref<1x16x16x8x128xf32, #tpu.memory_space<vmem>>, vector<1x1x16x8x128xf32>
    %swap3A_657 = vector.shape_cast %swap3A_656 : vector<1x1x16x8x128xf32> to vector<16x8x128xf32>
    %swap3A_658 = vector.shape_cast %reshape3A_650 : vector<16x8x128xf32> to vector<1x1x16x8x128xf32>
    tpu.vector_store %arg3[%swap3A_651, %swap3A_652, %swap3A_653, %swap3A_654, %swap3A_655], %swap3A_658 {strides = array<i32>} : memref<1x16x16x8x128xf32, #tpu.memory_space<vmem>>, vector<1x1x16x8x128xf32>,
    %swap3A_659 = arith.constant 0 : index
    %swap3A_660 = arith.constant 7 : index
    %swap3A_661 = arith.constant 0 : index
    %swap3A_662 = arith.constant 0 : index
    %swap3A_663 = arith.constant 0 : index
    %swap3A_664 = vector.load %arg4[%swap3A_659, %swap3A_660, %swap3A_661, %swap3A_662, %swap3A_663] : memref<1x16x16x8x128xf32, #tpu.memory_space<vmem>>, vector<1x1x16x8x128xf32>
    %swap3A_665 = vector.shape_cast %swap3A_664 : vector<1x1x16x8x128xf32> to vector<16x8x128xf32>
    %swap3A_666 = vector.shape_cast %reshape3A_650 : vector<16x8x128xf32> to vector<1x1x16x8x128xf32>
    tpu.vector_store %arg4[%swap3A_659, %swap3A_660, %swap3A_661, %swap3A_662, %swap3A_663], %swap3A_666 {strides = array<i32>} : memref<1x16x16x8x128xf32, #tpu.memory_space<vmem>>, vector<1x1x16x8x128xf32>,
    %add3A_667 = arith.constant 8 : i32
    %add3A_668 = arith.addi %mul3A_2, %add3A_667 : i32
    %add3A_669 = arith.constant 128 : i32
    %add3A_670 = arith.addi %add3A_668, %add3A_669 : i32
    %sub3A_671 = arith.constant 64 : i32
    %sub3A_672 = arith.subi %add3A_670, %sub3A_671 : i32
    %jit3A_673 = arith.constant 128 : i32
    %div3A_674 = arith.divsi %sub3A_672, %jit3A_673 : i32
    %sign3A_675 = arith.constant 0 : i32
    %sign3A_676 = arith.cmpi sgt, %sub3A_672, %sign3A_675 : i32
    %sign3A_677 = arith.extui %sign3A_676 : i1 to i32
    %sign3A_678 = arith.constant 0 : i32
    %sign3A_679 = arith.cmpi slt, %sub3A_672, %sign3A_678 : i32
    %sign3A_680 = arith.extui %sign3A_679 : i1 to i32
    %sign3A_681 = arith.subi %sign3A_677, %sign3A_680 : i32
    %sign3A_682 = arith.constant 0 : i32
    %sign3A_683 = arith.cmpi sgt, %jit3A_673, %sign3A_682 : i32
    %sign3A_684 = arith.extui %sign3A_683 : i1 to i32
    %sign3A_685 = arith.constant 0 : i32
    %sign3A_686 = arith.cmpi slt, %jit3A_673, %sign3A_685 : i32
    %sign3A_687 = arith.extui %sign3A_686 : i1 to i32
    %sign3A_688 = arith.subi %sign3A_684, %sign3A_687 : i32
    %ne3A_689 = arith.cmpi ne, %sign3A_681, %sign3A_688 : i32
    %rem3A_690 = arith.remsi %sub3A_672, %jit3A_673 : i32
    %ne3A_691 = arith.constant 0 : i32
    %ne3A_692 = arith.cmpi ne, %rem3A_690, %ne3A_691 : i32
    %and3A_693 = arith.andi %ne3A_689, %ne3A_692 : i1
    %sub3A_694 = arith.constant 1 : i32
    %sub3A_695 = arith.subi %div3A_674, %sub3A_694 : i32
    %select_n3A_696 = arith.select %and3A_693, %sub3A_695, %div3A_674 : i32
    %mul3A_697 = arith.constant 128 : i32
    %mul3A_698 = arith.muli %select_n3A_696, %mul3A_697 : i32
    %multiple_of3A_699 = tpu.assume_multiple %mul3A_698, 128 : i32
    %jit3A_700 = arith.constant 128 : i32
    %eq3A_701 = arith.constant 0 : i32
    %eq3A_702 = arith.cmpi eq, %jit3A_700, %eq3A_701 : i32
    %jit3A_703 = arith.constant 1 : i32
    %select_n3A_704 = arith.select %eq3A_702, %jit3A_703, %jit3A_700 : i32
    %rem3A_705 = arith.remsi %sub3A_672, %select_n3A_704 : i32
    %ne3A_706 = arith.constant 0 : i32
    %ne3A_707 = arith.cmpi ne, %rem3A_705, %ne3A_706 : i32
    %lt3A_708 = arith.constant 0 : i32
    %lt3A_709 = arith.cmpi slt, %rem3A_705, %lt3A_708 : i32
    %lt3A_710 = arith.constant 0 : i32
    %lt3A_711 = arith.cmpi slt, %select_n3A_704, %lt3A_710 : i32
    %ne3A_712 = arith.xori %lt3A_709, %lt3A_711 : i1
    %and3A_713 = arith.andi %ne3A_712, %ne3A_707 : i1
    %add3A_714 = arith.addi %rem3A_705, %select_n3A_704 : i32
    %select_n3A_715 = arith.select %and3A_713, %add3A_714, %rem3A_705 : i32
    %get3A_716 = arith.constant 0 : index
    %get3A_717 = arith.index_cast %multiple_of3A_699 : i32 to index
    %get3A_718 = vector.load %arg5[%get3A_716, %get3A_717] : memref<128x384xf32, #tpu.memory_space<vmem>>, vector<128x128xf32>
    %add3A_719 = arith.constant 128 : i32
    %add3A_720 = arith.addi %multiple_of3A_699, %add3A_719 : i32
    %get3A_721 = arith.constant 0 : index
    %get3A_722 = arith.index_cast %add3A_720 : i32 to index
    %get3A_723 = vector.load %arg5[%get3A_721, %get3A_722] : memref<128x384xf32, #tpu.memory_space<vmem>>, vector<128x128xf32>
    %sub3A_724 = arith.constant 128 : i32
    %sub3A_725 = arith.subi %sub3A_724, %select_n3A_715 : i32
    %lt3A_726 = vector.broadcast %sub3A_725 : i32 to vector<128x128xi32>
    %lt3A_727 = arith.cmpi slt, %iota3A, %lt3A_726 : vector<128x128xi32>
    %neg3A_728 = arith.constant 0 : i32
    %neg3A_729 = arith.subi %neg3A_728, %select_n3A_715 : i32
    %roll3A_730 = tpu.dynamic_rotate %get3A_718 by %neg3A_729 dim 1 : vector<128x128xf32>, i32 -> vector<128x128xf32>
    %neg3A_731 = arith.constant 0 : i32
    %neg3A_732 = arith.subi %neg3A_731, %select_n3A_715 : i32
    %roll3A_733 = tpu.dynamic_rotate %get3A_723 by %neg3A_732 dim 1 : vector<128x128xf32>, i32 -> vector<128x128xf32>
    %select_n3A_734 = arith.select %lt3A_727, %roll3A_730, %roll3A_733 : vector<128x128xi1>, vector<128x128xf32>
    %reshape3A_735 = vector.shape_cast %select_n3A_734 : vector<128x128xf32> to vector<16x8x128xf32>
    %swap3A_736 = arith.constant 0 : index
    %swap3A_737 = arith.constant 8 : index
    %swap3A_738 = arith.constant 0 : index
    %swap3A_739 = arith.constant 0 : index
    %swap3A_740 = arith.constant 0 : index
    %swap3A_741 = vector.load %arg3[%swap3A_736, %swap3A_737, %swap3A_738, %swap3A_739, %swap3A_740] : memref<1x16x16x8x128xf32, #tpu.memory_space<vmem>>, vector<1x1x16x8x128xf32>
    %swap3A_742 = vector.shape_cast %swap3A_741 : vector<1x1x16x8x128xf32> to vector<16x8x128xf32>
    %swap3A_743 = vector.shape_cast %reshape3A_735 : vector<16x8x128xf32> to vector<1x1x16x8x128xf32>
    tpu.vector_store %arg3[%swap3A_736, %swap3A_737, %swap3A_738, %swap3A_739, %swap3A_740], %swap3A_743 {strides = array<i32>} : memref<1x16x16x8x128xf32, #tpu.memory_space<vmem>>, vector<1x1x16x8x128xf32>,
    %swap3A_744 = arith.constant 0 : index
    %swap3A_745 = arith.constant 8 : index
    %swap3A_746 = arith.constant 0 : index
    %swap3A_747 = arith.constant 0 : index
    %swap3A_748 = arith.constant 0 : index
    %swap3A_749 = vector.load %arg4[%swap3A_744, %swap3A_745, %swap3A_746, %swap3A_747, %swap3A_748] : memref<1x16x16x8x128xf32, #tpu.memory_space<vmem>>, vector<1x1x16x8x128xf32>
    %swap3A_750 = vector.shape_cast %swap3A_749 : vector<1x1x16x8x128xf32> to vector<16x8x128xf32>
    %swap3A_751 = vector.shape_cast %reshape3A_735 : vector<16x8x128xf32> to vector<1x1x16x8x128xf32>
    tpu.vector_store %arg4[%swap3A_744, %swap3A_745, %swap3A_746, %swap3A_747, %swap3A_748], %swap3A_751 {strides = array<i32>} : memref<1x16x16x8x128xf32, #tpu.memory_space<vmem>>, vector<1x1x16x8x128xf32>,
    %add3A_752 = arith.constant 9 : i32
    %add3A_753 = arith.addi %mul3A_2, %add3A_752 : i32
    %add3A_754 = arith.constant 128 : i32
    %add3A_755 = arith.addi %add3A_753, %add3A_754 : i32
    %sub3A_756 = arith.constant 64 : i32
    %sub3A_757 = arith.subi %add3A_755, %sub3A_756 : i32
    %jit3A_758 = arith.constant 128 : i32
    %div3A_759 = arith.divsi %sub3A_757, %jit3A_758 : i32
    %sign3A_760 = arith.constant 0 : i32
    %sign3A_761 = arith.cmpi sgt, %sub3A_757, %sign3A_760 : i32
    %sign3A_762 = arith.extui %sign3A_761 : i1 to i32
    %sign3A_763 = arith.constant 0 : i32
    %sign3A_764 = arith.cmpi slt, %sub3A_757, %sign3A_763 : i32
    %sign3A_765 = arith.extui %sign3A_764 : i1 to i32
    %sign3A_766 = arith.subi %sign3A_762, %sign3A_765 : i32
    %sign3A_767 = arith.constant 0 : i32
    %sign3A_768 = arith.cmpi sgt, %jit3A_758, %sign3A_767 : i32
    %sign3A_769 = arith.extui %sign3A_768 : i1 to i32
    %sign3A_770 = arith.constant 0 : i32
    %sign3A_771 = arith.cmpi slt, %jit3A_758, %sign3A_770 : i32
    %sign3A_772 = arith.extui %sign3A_771 : i1 to i32
    %sign3A_773 = arith.subi %sign3A_769, %sign3A_772 : i32
    %ne3A_774 = arith.cmpi ne, %sign3A_766, %sign3A_773 : i32
    %rem3A_775 = arith.remsi %sub3A_757, %jit3A_758 : i32
    %ne3A_776 = arith.constant 0 : i32
    %ne3A_777 = arith.cmpi ne, %rem3A_775, %ne3A_776 : i32
    %and3A_778 = arith.andi %ne3A_774, %ne3A_777 : i1
    %sub3A_779 = arith.constant 1 : i32
    %sub3A_780 = arith.subi %div3A_759, %sub3A_779 : i32
    %select_n3A_781 = arith.select %and3A_778, %sub3A_780, %div3A_759 : i32
    %mul3A_782 = arith.constant 128 : i32
    %mul3A_783 = arith.muli %select_n3A_781, %mul3A_782 : i32
    %multiple_of3A_784 = tpu.assume_multiple %mul3A_783, 128 : i32
    %jit3A_785 = arith.constant 128 : i32
    %eq3A_786 = arith.constant 0 : i32
    %eq3A_787 = arith.cmpi eq, %jit3A_785, %eq3A_786 : i32
    %jit3A_788 = arith.constant 1 : i32
    %select_n3A_789 = arith.select %eq3A_787, %jit3A_788, %jit3A_785 : i32
    %rem3A_790 = arith.remsi %sub3A_757, %select_n3A_789 : i32
    %ne3A_791 = arith.constant 0 : i32
    %ne3A_792 = arith.cmpi ne, %rem3A_790, %ne3A_791 : i32
    %lt3A_793 = arith.constant 0 : i32
    %lt3A_794 = arith.cmpi slt, %rem3A_790, %lt3A_793 : i32
    %lt3A_795 = arith.constant 0 : i32
    %lt3A_796 = arith.cmpi slt, %select_n3A_789, %lt3A_795 : i32
    %ne3A_797 = arith.xori %lt3A_794, %lt3A_796 : i1
    %and3A_798 = arith.andi %ne3A_797, %ne3A_792 : i1
    %add3A_799 = arith.addi %rem3A_790, %select_n3A_789 : i32
    %select_n3A_800 = arith.select %and3A_798, %add3A_799, %rem3A_790 : i32
    %get3A_801 = arith.constant 0 : index
    %get3A_802 = arith.index_cast %multiple_of3A_784 : i32 to index
    %get3A_803 = vector.load %arg5[%get3A_801, %get3A_802] : memref<128x384xf32, #tpu.memory_space<vmem>>, vector<128x128xf32>
    %add3A_804 = arith.constant 128 : i32
    %add3A_805 = arith.addi %multiple_of3A_784, %add3A_804 : i32
    %get3A_806 = arith.constant 0 : index
    %get3A_807 = arith.index_cast %add3A_805 : i32 to index
    %get3A_808 = vector.load %arg5[%get3A_806, %get3A_807] : memref<128x384xf32, #tpu.memory_space<vmem>>, vector<128x128xf32>
    %sub3A_809 = arith.constant 128 : i32
    %sub3A_810 = arith.subi %sub3A_809, %select_n3A_800 : i32
    %lt3A_811 = vector.broadcast %sub3A_810 : i32 to vector<128x128xi32>
    %lt3A_812 = arith.cmpi slt, %iota3A, %lt3A_811 : vector<128x128xi32>
    %neg3A_813 = arith.constant 0 : i32
    %neg3A_814 = arith.subi %neg3A_813, %select_n3A_800 : i32
    %roll3A_815 = tpu.dynamic_rotate %get3A_803 by %neg3A_814 dim 1 : vector<128x128xf32>, i32 -> vector<128x128xf32>
    %neg3A_816 = arith.constant 0 : i32
    %neg3A_817 = arith.subi %neg3A_816, %select_n3A_800 : i32
    %roll3A_818 = tpu.dynamic_rotate %get3A_808 by %neg3A_817 dim 1 : vector<128x128xf32>, i32 -> vector<128x128xf32>
    %select_n3A_819 = arith.select %lt3A_812, %roll3A_815, %roll3A_818 : vector<128x128xi1>, vector<128x128xf32>
    %reshape3A_820 = vector.shape_cast %select_n3A_819 : vector<128x128xf32> to vector<16x8x128xf32>
    %swap3A_821 = arith.constant 0 : index
    %swap3A_822 = arith.constant 9 : index
    %swap3A_823 = arith.constant 0 : index
    %swap3A_824 = arith.constant 0 : index
    %swap3A_825 = arith.constant 0 : index
    %swap3A_826 = vector.load %arg3[%swap3A_821, %swap3A_822, %swap3A_823, %swap3A_824, %swap3A_825] : memref<1x16x16x8x128xf32, #tpu.memory_space<vmem>>, vector<1x1x16x8x128xf32>
    %swap3A_827 = vector.shape_cast %swap3A_826 : vector<1x1x16x8x128xf32> to vector<16x8x128xf32>
    %swap3A_828 = vector.shape_cast %reshape3A_820 : vector<16x8x128xf32> to vector<1x1x16x8x128xf32>
    tpu.vector_store %arg3[%swap3A_821, %swap3A_822, %swap3A_823, %swap3A_824, %swap3A_825], %swap3A_828 {strides = array<i32>} : memref<1x16x16x8x128xf32, #tpu.memory_space<vmem>>, vector<1x1x16x8x128xf32>,
    %swap3A_829 = arith.constant 0 : index
    %swap3A_830 = arith.constant 9 : index
    %swap3A_831 = arith.constant 0 : index
    %swap3A_832 = arith.constant 0 : index
    %swap3A_833 = arith.constant 0 : index
    %swap3A_834 = vector.load %arg4[%swap3A_829, %swap3A_830, %swap3A_831, %swap3A_832, %swap3A_833] : memref<1x16x16x8x128xf32, #tpu.memory_space<vmem>>, vector<1x1x16x8x128xf32>
    %swap3A_835 = vector.shape_cast %swap3A_834 : vector<1x1x16x8x128xf32> to vector<16x8x128xf32>
    %swap3A_836 = vector.shape_cast %reshape3A_820 : vector<16x8x128xf32> to vector<1x1x16x8x128xf32>
    tpu.vector_store %arg4[%swap3A_829, %swap3A_830, %swap3A_831, %swap3A_832, %swap3A_833], %swap3A_836 {strides = array<i32>} : memref<1x16x16x8x128xf32, #tpu.memory_space<vmem>>, vector<1x1x16x8x128xf32>,
    %add3A_837 = arith.constant 10 : i32
    %add3A_838 = arith.addi %mul3A_2, %add3A_837 : i32
    %add3A_839 = arith.constant 128 : i32
    %add3A_840 = arith.addi %add3A_838, %add3A_839 : i32
    %sub3A_841 = arith.constant 64 : i32
    %sub3A_842 = arith.subi %add3A_840, %sub3A_841 : i32
    %jit3A_843 = arith.constant 128 : i32
    %div3A_844 = arith.divsi %sub3A_842, %jit3A_843 : i32
    %sign3A_845 = arith.constant 0 : i32
    %sign3A_846 = arith.cmpi sgt, %sub3A_842, %sign3A_845 : i32
    %sign3A_847 = arith.extui %sign3A_846 : i1 to i32
    %sign3A_848 = arith.constant 0 : i32
    %sign3A_849 = arith.cmpi slt, %sub3A_842, %sign3A_848 : i32
    %sign3A_850 = arith.extui %sign3A_849 : i1 to i32
    %sign3A_851 = arith.subi %sign3A_847, %sign3A_850 : i32
    %sign3A_852 = arith.constant 0 : i32
    %sign3A_853 = arith.cmpi sgt, %jit3A_843, %sign3A_852 : i32
    %sign3A_854 = arith.extui %sign3A_853 : i1 to i32
    %sign3A_855 = arith.constant 0 : i32
    %sign3A_856 = arith.cmpi slt, %jit3A_843, %sign3A_855 : i32
    %sign3A_857 = arith.extui %sign3A_856 : i1 to i32
    %sign3A_858 = arith.subi %sign3A_854, %sign3A_857 : i32
    %ne3A_859 = arith.cmpi ne, %sign3A_851, %sign3A_858 : i32
    %rem3A_860 = arith.remsi %sub3A_842, %jit3A_843 : i32
    %ne3A_861 = arith.constant 0 : i32
    %ne3A_862 = arith.cmpi ne, %rem3A_860, %ne3A_861 : i32
    %and3A_863 = arith.andi %ne3A_859, %ne3A_862 : i1
    %sub3A_864 = arith.constant 1 : i32
    %sub3A_865 = arith.subi %div3A_844, %sub3A_864 : i32
    %select_n3A_866 = arith.select %and3A_863, %sub3A_865, %div3A_844 : i32
    %mul3A_867 = arith.constant 128 : i32
    %mul3A_868 = arith.muli %select_n3A_866, %mul3A_867 : i32
    %multiple_of3A_869 = tpu.assume_multiple %mul3A_868, 128 : i32
    %jit3A_870 = arith.constant 128 : i32
    %eq3A_871 = arith.constant 0 : i32
    %eq3A_872 = arith.cmpi eq, %jit3A_870, %eq3A_871 : i32
    %jit3A_873 = arith.constant 1 : i32
    %select_n3A_874 = arith.select %eq3A_872, %jit3A_873, %jit3A_870 : i32
    %rem3A_875 = arith.remsi %sub3A_842, %select_n3A_874 : i32
    %ne3A_876 = arith.constant 0 : i32
    %ne3A_877 = arith.cmpi ne, %rem3A_875, %ne3A_876 : i32
    %lt3A_878 = arith.constant 0 : i32
    %lt3A_879 = arith.cmpi slt, %rem3A_875, %lt3A_878 : i32
    %lt3A_880 = arith.constant 0 : i32
    %lt3A_881 = arith.cmpi slt, %select_n3A_874, %lt3A_880 : i32
    %ne3A_882 = arith.xori %lt3A_879, %lt3A_881 : i1
    %and3A_883 = arith.andi %ne3A_882, %ne3A_877 : i1
    %add3A_884 = arith.addi %rem3A_875, %select_n3A_874 : i32
    %select_n3A_885 = arith.select %and3A_883, %add3A_884, %rem3A_875 : i32
    %get3A_886 = arith.constant 0 : index
    %get3A_887 = arith.index_cast %multiple_of3A_869 : i32 to index
    %get3A_888 = vector.load %arg5[%get3A_886, %get3A_887] : memref<128x384xf32, #tpu.memory_space<vmem>>, vector<128x128xf32>
    %add3A_889 = arith.constant 128 : i32
    %add3A_890 = arith.addi %multiple_of3A_869, %add3A_889 : i32
    %get3A_891 = arith.constant 0 : index
    %get3A_892 = arith.index_cast %add3A_890 : i32 to index
    %get3A_893 = vector.load %arg5[%get3A_891, %get3A_892] : memref<128x384xf32, #tpu.memory_space<vmem>>, vector<128x128xf32>
    %sub3A_894 = arith.constant 128 : i32
    %sub3A_895 = arith.subi %sub3A_894, %select_n3A_885 : i32
    %lt3A_896 = vector.broadcast %sub3A_895 : i32 to vector<128x128xi32>
    %lt3A_897 = arith.cmpi slt, %iota3A, %lt3A_896 : vector<128x128xi32>
    %neg3A_898 = arith.constant 0 : i32
    %neg3A_899 = arith.subi %neg3A_898, %select_n3A_885 : i32
    %roll3A_900 = tpu.dynamic_rotate %get3A_888 by %neg3A_899 dim 1 : vector<128x128xf32>, i32 -> vector<128x128xf32>
    %neg3A_901 = arith.constant 0 : i32
    %neg3A_902 = arith.subi %neg3A_901, %select_n3A_885 : i32
    %roll3A_903 = tpu.dynamic_rotate %get3A_893 by %neg3A_902 dim 1 : vector<128x128xf32>, i32 -> vector<128x128xf32>
    %select_n3A_904 = arith.select %lt3A_897, %roll3A_900, %roll3A_903 : vector<128x128xi1>, vector<128x128xf32>
    %reshape3A_905 = vector.shape_cast %select_n3A_904 : vector<128x128xf32> to vector<16x8x128xf32>
    %swap3A_906 = arith.constant 0 : index
    %swap3A_907 = arith.constant 10 : index
    %swap3A_908 = arith.constant 0 : index
    %swap3A_909 = arith.constant 0 : index
    %swap3A_910 = arith.constant 0 : index
    %swap3A_911 = vector.load %arg3[%swap3A_906, %swap3A_907, %swap3A_908, %swap3A_909, %swap3A_910] : memref<1x16x16x8x128xf32, #tpu.memory_space<vmem>>, vector<1x1x16x8x128xf32>
    %swap3A_912 = vector.shape_cast %swap3A_911 : vector<1x1x16x8x128xf32> to vector<16x8x128xf32>
    %swap3A_913 = vector.shape_cast %reshape3A_905 : vector<16x8x128xf32> to vector<1x1x16x8x128xf32>
    tpu.vector_store %arg3[%swap3A_906, %swap3A_907, %swap3A_908, %swap3A_909, %swap3A_910], %swap3A_913 {strides = array<i32>} : memref<1x16x16x8x128xf32, #tpu.memory_space<vmem>>, vector<1x1x16x8x128xf32>,
    %swap3A_914 = arith.constant 0 : index
    %swap3A_915 = arith.constant 10 : index
    %swap3A_916 = arith.constant 0 : index
    %swap3A_917 = arith.constant 0 : index
    %swap3A_918 = arith.constant 0 : index
    %swap3A_919 = vector.load %arg4[%swap3A_914, %swap3A_915, %swap3A_916, %swap3A_917, %swap3A_918] : memref<1x16x16x8x128xf32, #tpu.memory_space<vmem>>, vector<1x1x16x8x128xf32>
    %swap3A_920 = vector.shape_cast %swap3A_919 : vector<1x1x16x8x128xf32> to vector<16x8x128xf32>
    %swap3A_921 = vector.shape_cast %reshape3A_905 : vector<16x8x128xf32> to vector<1x1x16x8x128xf32>
    tpu.vector_store %arg4[%swap3A_914, %swap3A_915, %swap3A_916, %swap3A_917, %swap3A_918], %swap3A_921 {strides = array<i32>} : memref<1x16x16x8x128xf32, #tpu.memory_space<vmem>>, vector<1x1x16x8x128xf32>,
    %add3A_922 = arith.constant 11 : i32
    %add3A_923 = arith.addi %mul3A_2, %add3A_922 : i32
    %add3A_924 = arith.constant 128 : i32
    %add3A_925 = arith.addi %add3A_923, %add3A_924 : i32
    %sub3A_926 = arith.constant 64 : i32
    %sub3A_927 = arith.subi %add3A_925, %sub3A_926 : i32
    %jit3A_928 = arith.constant 128 : i32
    %div3A_929 = arith.divsi %sub3A_927, %jit3A_928 : i32
    %sign3A_930 = arith.constant 0 : i32
    %sign3A_931 = arith.cmpi sgt, %sub3A_927, %sign3A_930 : i32
    %sign3A_932 = arith.extui %sign3A_931 : i1 to i32
    %sign3A_933 = arith.constant 0 : i32
    %sign3A_934 = arith.cmpi slt, %sub3A_927, %sign3A_933 : i32
    %sign3A_935 = arith.extui %sign3A_934 : i1 to i32
    %sign3A_936 = arith.subi %sign3A_932, %sign3A_935 : i32
    %sign3A_937 = arith.constant 0 : i32
    %sign3A_938 = arith.cmpi sgt, %jit3A_928, %sign3A_937 : i32
    %sign3A_939 = arith.extui %sign3A_938 : i1 to i32
    %sign3A_940 = arith.constant 0 : i32
    %sign3A_941 = arith.cmpi slt, %jit3A_928, %sign3A_940 : i32
    %sign3A_942 = arith.extui %sign3A_941 : i1 to i32
    %sign3A_943 = arith.subi %sign3A_939, %sign3A_942 : i32
    %ne3A_944 = arith.cmpi ne, %sign3A_936, %sign3A_943 : i32
    %rem3A_945 = arith.remsi %sub3A_927, %jit3A_928 : i32
    %ne3A_946 = arith.constant 0 : i32
    %ne3A_947 = arith.cmpi ne, %rem3A_945, %ne3A_946 : i32
    %and3A_948 = arith.andi %ne3A_944, %ne3A_947 : i1
    %sub3A_949 = arith.constant 1 : i32
    %sub3A_950 = arith.subi %div3A_929, %sub3A_949 : i32
    %select_n3A_951 = arith.select %and3A_948, %sub3A_950, %div3A_929 : i32
    %mul3A_952 = arith.constant 128 : i32
    %mul3A_953 = arith.muli %select_n3A_951, %mul3A_952 : i32
    %multiple_of3A_954 = tpu.assume_multiple %mul3A_953, 128 : i32
    %jit3A_955 = arith.constant 128 : i32
    %eq3A_956 = arith.constant 0 : i32
    %eq3A_957 = arith.cmpi eq, %jit3A_955, %eq3A_956 : i32
    %jit3A_958 = arith.constant 1 : i32
    %select_n3A_959 = arith.select %eq3A_957, %jit3A_958, %jit3A_955 : i32
    %rem3A_960 = arith.remsi %sub3A_927, %select_n3A_959 : i32
    %ne3A_961 = arith.constant 0 : i32
    %ne3A_962 = arith.cmpi ne, %rem3A_960, %ne3A_961 : i32
    %lt3A_963 = arith.constant 0 : i32
    %lt3A_964 = arith.cmpi slt, %rem3A_960, %lt3A_963 : i32
    %lt3A_965 = arith.constant 0 : i32
    %lt3A_966 = arith.cmpi slt, %select_n3A_959, %lt3A_965 : i32
    %ne3A_967 = arith.xori %lt3A_964, %lt3A_966 : i1
    %and3A_968 = arith.andi %ne3A_967, %ne3A_962 : i1
    %add3A_969 = arith.addi %rem3A_960, %select_n3A_959 : i32
    %select_n3A_970 = arith.select %and3A_968, %add3A_969, %rem3A_960 : i32
    %get3A_971 = arith.constant 0 : index
    %get3A_972 = arith.index_cast %multiple_of3A_954 : i32 to index
    %get3A_973 = vector.load %arg5[%get3A_971, %get3A_972] : memref<128x384xf32, #tpu.memory_space<vmem>>, vector<128x128xf32>
    %add3A_974 = arith.constant 128 : i32
    %add3A_975 = arith.addi %multiple_of3A_954, %add3A_974 : i32
    %get3A_976 = arith.constant 0 : index
    %get3A_977 = arith.index_cast %add3A_975 : i32 to index
    %get3A_978 = vector.load %arg5[%get3A_976, %get3A_977] : memref<128x384xf32, #tpu.memory_space<vmem>>, vector<128x128xf32>
    %sub3A_979 = arith.constant 128 : i32
    %sub3A_980 = arith.subi %sub3A_979, %select_n3A_970 : i32
    %lt3A_981 = vector.broadcast %sub3A_980 : i32 to vector<128x128xi32>
    %lt3A_982 = arith.cmpi slt, %iota3A, %lt3A_981 : vector<128x128xi32>
    %neg3A_983 = arith.constant 0 : i32
    %neg3A_984 = arith.subi %neg3A_983, %select_n3A_970 : i32
    %roll3A_985 = tpu.dynamic_rotate %get3A_973 by %neg3A_984 dim 1 : vector<128x128xf32>, i32 -> vector<128x128xf32>
    %neg3A_986 = arith.constant 0 : i32
    %neg3A_987 = arith.subi %neg3A_986, %select_n3A_970 : i32
    %roll3A_988 = tpu.dynamic_rotate %get3A_978 by %neg3A_987 dim 1 : vector<128x128xf32>, i32 -> vector<128x128xf32>
    %select_n3A_989 = arith.select %lt3A_982, %roll3A_985, %roll3A_988 : vector<128x128xi1>, vector<128x128xf32>
    %reshape3A_990 = vector.shape_cast %select_n3A_989 : vector<128x128xf32> to vector<16x8x128xf32>
    %swap3A_991 = arith.constant 0 : index
    %swap3A_992 = arith.constant 11 : index
    %swap3A_993 = arith.constant 0 : index
    %swap3A_994 = arith.constant 0 : index
    %swap3A_995 = arith.constant 0 : index
    %swap3A_996 = vector.load %arg3[%swap3A_991, %swap3A_992, %swap3A_993, %swap3A_994, %swap3A_995] : memref<1x16x16x8x128xf32, #tpu.memory_space<vmem>>, vector<1x1x16x8x128xf32>
    %swap3A_997 = vector.shape_cast %swap3A_996 : vector<1x1x16x8x128xf32> to vector<16x8x128xf32>
    %swap3A_998 = vector.shape_cast %reshape3A_990 : vector<16x8x128xf32> to vector<1x1x16x8x128xf32>
    tpu.vector_store %arg3[%swap3A_991, %swap3A_992, %swap3A_993, %swap3A_994, %swap3A_995], %swap3A_998 {strides = array<i32>} : memref<1x16x16x8x128xf32, #tpu.memory_space<vmem>>, vector<1x1x16x8x128xf32>,
    %swap3A_999 = arith.constant 0 : index
    %swap3A_1000 = arith.constant 11 : index
    %swap3A_1001 = arith.constant 0 : index
    %swap3A_1002 = arith.constant 0 : index
    %swap3A_1003 = arith.constant 0 : index
    %swap3A_1004 = vector.load %arg4[%swap3A_999, %swap3A_1000, %swap3A_1001, %swap3A_1002, %swap3A_1003] : memref<1x16x16x8x128xf32, #tpu.memory_space<vmem>>, vector<1x1x16x8x128xf32>
    %swap3A_1005 = vector.shape_cast %swap3A_1004 : vector<1x1x16x8x128xf32> to vector<16x8x128xf32>
    %swap3A_1006 = vector.shape_cast %reshape3A_990 : vector<16x8x128xf32> to vector<1x1x16x8x128xf32>
    tpu.vector_store %arg4[%swap3A_999, %swap3A_1000, %swap3A_1001, %swap3A_1002, %swap3A_1003], %swap3A_1006 {strides = array<i32>} : memref<1x16x16x8x128xf32, #tpu.memory_space<vmem>>, vector<1x1x16x8x128xf32>,
    %add3A_1007 = arith.constant 12 : i32
    %add3A_1008 = arith.addi %mul3A_2, %add3A_1007 : i32
    %add3A_1009 = arith.constant 128 : i32
    %add3A_1010 = arith.addi %add3A_1008, %add3A_1009 : i32
    %sub3A_1011 = arith.constant 64 : i32
    %sub3A_1012 = arith.subi %add3A_1010, %sub3A_1011 : i32
    %jit3A_1013 = arith.constant 128 : i32
    %div3A_1014 = arith.divsi %sub3A_1012, %jit3A_1013 : i32
    %sign3A_1015 = arith.constant 0 : i32
    %sign3A_1016 = arith.cmpi sgt, %sub3A_1012, %sign3A_1015 : i32
    %sign3A_1017 = arith.extui %sign3A_1016 : i1 to i32
    %sign3A_1018 = arith.constant 0 : i32
    %sign3A_1019 = arith.cmpi slt, %sub3A_1012, %sign3A_1018 : i32
    %sign3A_1020 = arith.extui %sign3A_1019 : i1 to i32
    %sign3A_1021 = arith.subi %sign3A_1017, %sign3A_1020 : i32
    %sign3A_1022 = arith.constant 0 : i32
    %sign3A_1023 = arith.cmpi sgt, %jit3A_1013, %sign3A_1022 : i32
    %sign3A_1024 = arith.extui %sign3A_1023 : i1 to i32
    %sign3A_1025 = arith.constant 0 : i32
    %sign3A_1026 = arith.cmpi slt, %jit3A_1013, %sign3A_1025 : i32
    %sign3A_1027 = arith.extui %sign3A_1026 : i1 to i32
    %sign3A_1028 = arith.subi %sign3A_1024, %sign3A_1027 : i32
    %ne3A_1029 = arith.cmpi ne, %sign3A_1021, %sign3A_1028 : i32
    %rem3A_1030 = arith.remsi %sub3A_1012, %jit3A_1013 : i32
    %ne3A_1031 = arith.constant 0 : i32
    %ne3A_1032 = arith.cmpi ne, %rem3A_1030, %ne3A_1031 : i32
    %and3A_1033 = arith.andi %ne3A_1029, %ne3A_1032 : i1
    %sub3A_1034 = arith.constant 1 : i32
    %sub3A_1035 = arith.subi %div3A_1014, %sub3A_1034 : i32
    %select_n3A_1036 = arith.select %and3A_1033, %sub3A_1035, %div3A_1014 : i32
    %mul3A_1037 = arith.constant 128 : i32
    %mul3A_1038 = arith.muli %select_n3A_1036, %mul3A_1037 : i32
    %multiple_of3A_1039 = tpu.assume_multiple %mul3A_1038, 128 : i32
    %jit3A_1040 = arith.constant 128 : i32
    %eq3A_1041 = arith.constant 0 : i32
    %eq3A_1042 = arith.cmpi eq, %jit3A_1040, %eq3A_1041 : i32
    %jit3A_1043 = arith.constant 1 : i32
    %select_n3A_1044 = arith.select %eq3A_1042, %jit3A_1043, %jit3A_1040 : i32
    %rem3A_1045 = arith.remsi %sub3A_1012, %select_n3A_1044 : i32
    %ne3A_1046 = arith.constant 0 : i32
    %ne3A_1047 = arith.cmpi ne, %rem3A_1045, %ne3A_1046 : i32
    %lt3A_1048 = arith.constant 0 : i32
    %lt3A_1049 = arith.cmpi slt, %rem3A_1045, %lt3A_1048 : i32
    %lt3A_1050 = arith.constant 0 : i32
    %lt3A_1051 = arith.cmpi slt, %select_n3A_1044, %lt3A_1050 : i32
    %ne3A_1052 = arith.xori %lt3A_1049, %lt3A_1051 : i1
    %and3A_1053 = arith.andi %ne3A_1052, %ne3A_1047 : i1
    %add3A_1054 = arith.addi %rem3A_1045, %select_n3A_1044 : i32
    %select_n3A_1055 = arith.select %and3A_1053, %add3A_1054, %rem3A_1045 : i32
    %get3A_1056 = arith.constant 0 : index
    %get3A_1057 = arith.index_cast %multiple_of3A_1039 : i32 to index
    %get3A_1058 = vector.load %arg5[%get3A_1056, %get3A_1057] : memref<128x384xf32, #tpu.memory_space<vmem>>, vector<128x128xf32>
    %add3A_1059 = arith.constant 128 : i32
    %add3A_1060 = arith.addi %multiple_of3A_1039, %add3A_1059 : i32
    %get3A_1061 = arith.constant 0 : index
    %get3A_1062 = arith.index_cast %add3A_1060 : i32 to index
    %get3A_1063 = vector.load %arg5[%get3A_1061, %get3A_1062] : memref<128x384xf32, #tpu.memory_space<vmem>>, vector<128x128xf32>
    %sub3A_1064 = arith.constant 128 : i32
    %sub3A_1065 = arith.subi %sub3A_1064, %select_n3A_1055 : i32
    %lt3A_1066 = vector.broadcast %sub3A_1065 : i32 to vector<128x128xi32>
    %lt3A_1067 = arith.cmpi slt, %iota3A, %lt3A_1066 : vector<128x128xi32>
    %neg3A_1068 = arith.constant 0 : i32
    %neg3A_1069 = arith.subi %neg3A_1068, %select_n3A_1055 : i32
    %roll3A_1070 = tpu.dynamic_rotate %get3A_1058 by %neg3A_1069 dim 1 : vector<128x128xf32>, i32 -> vector<128x128xf32>
    %neg3A_1071 = arith.constant 0 : i32
    %neg3A_1072 = arith.subi %neg3A_1071, %select_n3A_1055 : i32
    %roll3A_1073 = tpu.dynamic_rotate %get3A_1063 by %neg3A_1072 dim 1 : vector<128x128xf32>, i32 -> vector<128x128xf32>
    %select_n3A_1074 = arith.select %lt3A_1067, %roll3A_1070, %roll3A_1073 : vector<128x128xi1>, vector<128x128xf32>
    %reshape3A_1075 = vector.shape_cast %select_n3A_1074 : vector<128x128xf32> to vector<16x8x128xf32>
    %swap3A_1076 = arith.constant 0 : index
    %swap3A_1077 = arith.constant 12 : index
    %swap3A_1078 = arith.constant 0 : index
    %swap3A_1079 = arith.constant 0 : index
    %swap3A_1080 = arith.constant 0 : index
    %swap3A_1081 = vector.load %arg3[%swap3A_1076, %swap3A_1077, %swap3A_1078, %swap3A_1079, %swap3A_1080] : memref<1x16x16x8x128xf32, #tpu.memory_space<vmem>>, vector<1x1x16x8x128xf32>
    %swap3A_1082 = vector.shape_cast %swap3A_1081 : vector<1x1x16x8x128xf32> to vector<16x8x128xf32>
    %swap3A_1083 = vector.shape_cast %reshape3A_1075 : vector<16x8x128xf32> to vector<1x1x16x8x128xf32>
    tpu.vector_store %arg3[%swap3A_1076, %swap3A_1077, %swap3A_1078, %swap3A_1079, %swap3A_1080], %swap3A_1083 {strides = array<i32>} : memref<1x16x16x8x128xf32, #tpu.memory_space<vmem>>, vector<1x1x16x8x128xf32>,
    %swap3A_1084 = arith.constant 0 : index
    %swap3A_1085 = arith.constant 12 : index
    %swap3A_1086 = arith.constant 0 : index
    %swap3A_1087 = arith.constant 0 : index
    %swap3A_1088 = arith.constant 0 : index
    %swap3A_1089 = vector.load %arg4[%swap3A_1084, %swap3A_1085, %swap3A_1086, %swap3A_1087, %swap3A_1088] : memref<1x16x16x8x128xf32, #tpu.memory_space<vmem>>, vector<1x1x16x8x128xf32>
    %swap3A_1090 = vector.shape_cast %swap3A_1089 : vector<1x1x16x8x128xf32> to vector<16x8x128xf32>
    %swap3A_1091 = vector.shape_cast %reshape3A_1075 : vector<16x8x128xf32> to vector<1x1x16x8x128xf32>
    tpu.vector_store %arg4[%swap3A_1084, %swap3A_1085, %swap3A_1086, %swap3A_1087, %swap3A_1088], %swap3A_1091 {strides = array<i32>} : memref<1x16x16x8x128xf32, #tpu.memory_space<vmem>>, vector<1x1x16x8x128xf32>,
    %add3A_1092 = arith.constant 13 : i32
    %add3A_1093 = arith.addi %mul3A_2, %add3A_1092 : i32
    %add3A_1094 = arith.constant 128 : i32
    %add3A_1095 = arith.addi %add3A_1093, %add3A_1094 : i32
    %sub3A_1096 = arith.constant 64 : i32
    %sub3A_1097 = arith.subi %add3A_1095, %sub3A_1096 : i32
    %jit3A_1098 = arith.constant 128 : i32
    %div3A_1099 = arith.divsi %sub3A_1097, %jit3A_1098 : i32
    %sign3A_1100 = arith.constant 0 : i32
    %sign3A_1101 = arith.cmpi sgt, %sub3A_1097, %sign3A_1100 : i32
    %sign3A_1102 = arith.extui %sign3A_1101 : i1 to i32
    %sign3A_1103 = arith.constant 0 : i32
    %sign3A_1104 = arith.cmpi slt, %sub3A_1097, %sign3A_1103 : i32
    %sign3A_1105 = arith.extui %sign3A_1104 : i1 to i32
    %sign3A_1106 = arith.subi %sign3A_1102, %sign3A_1105 : i32
    %sign3A_1107 = arith.constant 0 : i32
    %sign3A_1108 = arith.cmpi sgt, %jit3A_1098, %sign3A_1107 : i32
    %sign3A_1109 = arith.extui %sign3A_1108 : i1 to i32
    %sign3A_1110 = arith.constant 0 : i32
    %sign3A_1111 = arith.cmpi slt, %jit3A_1098, %sign3A_1110 : i32
    %sign3A_1112 = arith.extui %sign3A_1111 : i1 to i32
    %sign3A_1113 = arith.subi %sign3A_1109, %sign3A_1112 : i32
    %ne3A_1114 = arith.cmpi ne, %sign3A_1106, %sign3A_1113 : i32
    %rem3A_1115 = arith.remsi %sub3A_1097, %jit3A_1098 : i32
    %ne3A_1116 = arith.constant 0 : i32
    %ne3A_1117 = arith.cmpi ne, %rem3A_1115, %ne3A_1116 : i32
    %and3A_1118 = arith.andi %ne3A_1114, %ne3A_1117 : i1
    %sub3A_1119 = arith.constant 1 : i32
    %sub3A_1120 = arith.subi %div3A_1099, %sub3A_1119 : i32
    %select_n3A_1121 = arith.select %and3A_1118, %sub3A_1120, %div3A_1099 : i32
    %mul3A_1122 = arith.constant 128 : i32
    %mul3A_1123 = arith.muli %select_n3A_1121, %mul3A_1122 : i32
    %multiple_of3A_1124 = tpu.assume_multiple %mul3A_1123, 128 : i32
    %jit3A_1125 = arith.constant 128 : i32
    %eq3A_1126 = arith.constant 0 : i32
    %eq3A_1127 = arith.cmpi eq, %jit3A_1125, %eq3A_1126 : i32
    %jit3A_1128 = arith.constant 1 : i32
    %select_n3A_1129 = arith.select %eq3A_1127, %jit3A_1128, %jit3A_1125 : i32
    %rem3A_1130 = arith.remsi %sub3A_1097, %select_n3A_1129 : i32
    %ne3A_1131 = arith.constant 0 : i32
    %ne3A_1132 = arith.cmpi ne, %rem3A_1130, %ne3A_1131 : i32
    %lt3A_1133 = arith.constant 0 : i32
    %lt3A_1134 = arith.cmpi slt, %rem3A_1130, %lt3A_1133 : i32
    %lt3A_1135 = arith.constant 0 : i32
    %lt3A_1136 = arith.cmpi slt, %select_n3A_1129, %lt3A_1135 : i32
    %ne3A_1137 = arith.xori %lt3A_1134, %lt3A_1136 : i1
    %and3A_1138 = arith.andi %ne3A_1137, %ne3A_1132 : i1
    %add3A_1139 = arith.addi %rem3A_1130, %select_n3A_1129 : i32
    %select_n3A_1140 = arith.select %and3A_1138, %add3A_1139, %rem3A_1130 : i32
    %get3A_1141 = arith.constant 0 : index
    %get3A_1142 = arith.index_cast %multiple_of3A_1124 : i32 to index
    %get3A_1143 = vector.load %arg5[%get3A_1141, %get3A_1142] : memref<128x384xf32, #tpu.memory_space<vmem>>, vector<128x128xf32>
    %add3A_1144 = arith.constant 128 : i32
    %add3A_1145 = arith.addi %multiple_of3A_1124, %add3A_1144 : i32
    %get3A_1146 = arith.constant 0 : index
    %get3A_1147 = arith.index_cast %add3A_1145 : i32 to index
    %get3A_1148 = vector.load %arg5[%get3A_1146, %get3A_1147] : memref<128x384xf32, #tpu.memory_space<vmem>>, vector<128x128xf32>
    %sub3A_1149 = arith.constant 128 : i32
    %sub3A_1150 = arith.subi %sub3A_1149, %select_n3A_1140 : i32
    %lt3A_1151 = vector.broadcast %sub3A_1150 : i32 to vector<128x128xi32>
    %lt3A_1152 = arith.cmpi slt, %iota3A, %lt3A_1151 : vector<128x128xi32>
    %neg3A_1153 = arith.constant 0 : i32
    %neg3A_1154 = arith.subi %neg3A_1153, %select_n3A_1140 : i32
    %roll3A_1155 = tpu.dynamic_rotate %get3A_1143 by %neg3A_1154 dim 1 : vector<128x128xf32>, i32 -> vector<128x128xf32>
    %neg3A_1156 = arith.constant 0 : i32
    %neg3A_1157 = arith.subi %neg3A_1156, %select_n3A_1140 : i32
    %roll3A_1158 = tpu.dynamic_rotate %get3A_1148 by %neg3A_1157 dim 1 : vector<128x128xf32>, i32 -> vector<128x128xf32>
    %select_n3A_1159 = arith.select %lt3A_1152, %roll3A_1155, %roll3A_1158 : vector<128x128xi1>, vector<128x128xf32>
    %reshape3A_1160 = vector.shape_cast %select_n3A_1159 : vector<128x128xf32> to vector<16x8x128xf32>
    %swap3A_1161 = arith.constant 0 : index
    %swap3A_1162 = arith.constant 13 : index
    %swap3A_1163 = arith.constant 0 : index
    %swap3A_1164 = arith.constant 0 : index
    %swap3A_1165 = arith.constant 0 : index
    %swap3A_1166 = vector.load %arg3[%swap3A_1161, %swap3A_1162, %swap3A_1163, %swap3A_1164, %swap3A_1165] : memref<1x16x16x8x128xf32, #tpu.memory_space<vmem>>, vector<1x1x16x8x128xf32>
    %swap3A_1167 = vector.shape_cast %swap3A_1166 : vector<1x1x16x8x128xf32> to vector<16x8x128xf32>
    %swap3A_1168 = vector.shape_cast %reshape3A_1160 : vector<16x8x128xf32> to vector<1x1x16x8x128xf32>
    tpu.vector_store %arg3[%swap3A_1161, %swap3A_1162, %swap3A_1163, %swap3A_1164, %swap3A_1165], %swap3A_1168 {strides = array<i32>} : memref<1x16x16x8x128xf32, #tpu.memory_space<vmem>>, vector<1x1x16x8x128xf32>,
    %swap3A_1169 = arith.constant 0 : index
    %swap3A_1170 = arith.constant 13 : index
    %swap3A_1171 = arith.constant 0 : index
    %swap3A_1172 = arith.constant 0 : index
    %swap3A_1173 = arith.constant 0 : index
    %swap3A_1174 = vector.load %arg4[%swap3A_1169, %swap3A_1170, %swap3A_1171, %swap3A_1172, %swap3A_1173] : memref<1x16x16x8x128xf32, #tpu.memory_space<vmem>>, vector<1x1x16x8x128xf32>
    %swap3A_1175 = vector.shape_cast %swap3A_1174 : vector<1x1x16x8x128xf32> to vector<16x8x128xf32>
    %swap3A_1176 = vector.shape_cast %reshape3A_1160 : vector<16x8x128xf32> to vector<1x1x16x8x128xf32>
    tpu.vector_store %arg4[%swap3A_1169, %swap3A_1170, %swap3A_1171, %swap3A_1172, %swap3A_1173], %swap3A_1176 {strides = array<i32>} : memref<1x16x16x8x128xf32, #tpu.memory_space<vmem>>, vector<1x1x16x8x128xf32>,
    %add3A_1177 = arith.constant 14 : i32
    %add3A_1178 = arith.addi %mul3A_2, %add3A_1177 : i32
    %add3A_1179 = arith.constant 128 : i32
    %add3A_1180 = arith.addi %add3A_1178, %add3A_1179 : i32
    %sub3A_1181 = arith.constant 64 : i32
    %sub3A_1182 = arith.subi %add3A_1180, %sub3A_1181 : i32
    %jit3A_1183 = arith.constant 128 : i32
    %div3A_1184 = arith.divsi %sub3A_1182, %jit3A_1183 : i32
    %sign3A_1185 = arith.constant 0 : i32
    %sign3A_1186 = arith.cmpi sgt, %sub3A_1182, %sign3A_1185 : i32
    %sign3A_1187 = arith.extui %sign3A_1186 : i1 to i32
    %sign3A_1188 = arith.constant 0 : i32
    %sign3A_1189 = arith.cmpi slt, %sub3A_1182, %sign3A_1188 : i32
    %sign3A_1190 = arith.extui %sign3A_1189 : i1 to i32
    %sign3A_1191 = arith.subi %sign3A_1187, %sign3A_1190 : i32
    %sign3A_1192 = arith.constant 0 : i32
    %sign3A_1193 = arith.cmpi sgt, %jit3A_1183, %sign3A_1192 : i32
    %sign3A_1194 = arith.extui %sign3A_1193 : i1 to i32
    %sign3A_1195 = arith.constant 0 : i32
    %sign3A_1196 = arith.cmpi slt, %jit3A_1183, %sign3A_1195 : i32
    %sign3A_1197 = arith.extui %sign3A_1196 : i1 to i32
    %sign3A_1198 = arith.subi %sign3A_1194, %sign3A_1197 : i32
    %ne3A_1199 = arith.cmpi ne, %sign3A_1191, %sign3A_1198 : i32
    %rem3A_1200 = arith.remsi %sub3A_1182, %jit3A_1183 : i32
    %ne3A_1201 = arith.constant 0 : i32
    %ne3A_1202 = arith.cmpi ne, %rem3A_1200, %ne3A_1201 : i32
    %and3A_1203 = arith.andi %ne3A_1199, %ne3A_1202 : i1
    %sub3A_1204 = arith.constant 1 : i32
    %sub3A_1205 = arith.subi %div3A_1184, %sub3A_1204 : i32
    %select_n3A_1206 = arith.select %and3A_1203, %sub3A_1205, %div3A_1184 : i32
    %mul3A_1207 = arith.constant 128 : i32
    %mul3A_1208 = arith.muli %select_n3A_1206, %mul3A_1207 : i32
    %multiple_of3A_1209 = tpu.assume_multiple %mul3A_1208, 128 : i32
    %jit3A_1210 = arith.constant 128 : i32
    %eq3A_1211 = arith.constant 0 : i32
    %eq3A_1212 = arith.cmpi eq, %jit3A_1210, %eq3A_1211 : i32
    %jit3A_1213 = arith.constant 1 : i32
    %select_n3A_1214 = arith.select %eq3A_1212, %jit3A_1213, %jit3A_1210 : i32
    %rem3A_1215 = arith.remsi %sub3A_1182, %select_n3A_1214 : i32
    %ne3A_1216 = arith.constant 0 : i32
    %ne3A_1217 = arith.cmpi ne, %rem3A_1215, %ne3A_1216 : i32
    %lt3A_1218 = arith.constant 0 : i32
    %lt3A_1219 = arith.cmpi slt, %rem3A_1215, %lt3A_1218 : i32
    %lt3A_1220 = arith.constant 0 : i32
    %lt3A_1221 = arith.cmpi slt, %select_n3A_1214, %lt3A_1220 : i32
    %ne3A_1222 = arith.xori %lt3A_1219, %lt3A_1221 : i1
    %and3A_1223 = arith.andi %ne3A_1222, %ne3A_1217 : i1
    %add3A_1224 = arith.addi %rem3A_1215, %select_n3A_1214 : i32
    %select_n3A_1225 = arith.select %and3A_1223, %add3A_1224, %rem3A_1215 : i32
    %get3A_1226 = arith.constant 0 : index
    %get3A_1227 = arith.index_cast %multiple_of3A_1209 : i32 to index
    %get3A_1228 = vector.load %arg5[%get3A_1226, %get3A_1227] : memref<128x384xf32, #tpu.memory_space<vmem>>, vector<128x128xf32>
    %add3A_1229 = arith.constant 128 : i32
    %add3A_1230 = arith.addi %multiple_of3A_1209, %add3A_1229 : i32
    %get3A_1231 = arith.constant 0 : index
    %get3A_1232 = arith.index_cast %add3A_1230 : i32 to index
    %get3A_1233 = vector.load %arg5[%get3A_1231, %get3A_1232] : memref<128x384xf32, #tpu.memory_space<vmem>>, vector<128x128xf32>
    %sub3A_1234 = arith.constant 128 : i32
    %sub3A_1235 = arith.subi %sub3A_1234, %select_n3A_1225 : i32
    %lt3A_1236 = vector.broadcast %sub3A_1235 : i32 to vector<128x128xi32>
    %lt3A_1237 = arith.cmpi slt, %iota3A, %lt3A_1236 : vector<128x128xi32>
    %neg3A_1238 = arith.constant 0 : i32
    %neg3A_1239 = arith.subi %neg3A_1238, %select_n3A_1225 : i32
    %roll3A_1240 = tpu.dynamic_rotate %get3A_1228 by %neg3A_1239 dim 1 : vector<128x128xf32>, i32 -> vector<128x128xf32>
    %neg3A_1241 = arith.constant 0 : i32
    %neg3A_1242 = arith.subi %neg3A_1241, %select_n3A_1225 : i32
    %roll3A_1243 = tpu.dynamic_rotate %get3A_1233 by %neg3A_1242 dim 1 : vector<128x128xf32>, i32 -> vector<128x128xf32>
    %select_n3A_1244 = arith.select %lt3A_1237, %roll3A_1240, %roll3A_1243 : vector<128x128xi1>, vector<128x128xf32>
    %reshape3A_1245 = vector.shape_cast %select_n3A_1244 : vector<128x128xf32> to vector<16x8x128xf32>
    %swap3A_1246 = arith.constant 0 : index
    %swap3A_1247 = arith.constant 14 : index
    %swap3A_1248 = arith.constant 0 : index
    %swap3A_1249 = arith.constant 0 : index
    %swap3A_1250 = arith.constant 0 : index
    %swap3A_1251 = vector.load %arg3[%swap3A_1246, %swap3A_1247, %swap3A_1248, %swap3A_1249, %swap3A_1250] : memref<1x16x16x8x128xf32, #tpu.memory_space<vmem>>, vector<1x1x16x8x128xf32>
    %swap3A_1252 = vector.shape_cast %swap3A_1251 : vector<1x1x16x8x128xf32> to vector<16x8x128xf32>
    %swap3A_1253 = vector.shape_cast %reshape3A_1245 : vector<16x8x128xf32> to vector<1x1x16x8x128xf32>
    tpu.vector_store %arg3[%swap3A_1246, %swap3A_1247, %swap3A_1248, %swap3A_1249, %swap3A_1250], %swap3A_1253 {strides = array<i32>} : memref<1x16x16x8x128xf32, #tpu.memory_space<vmem>>, vector<1x1x16x8x128xf32>,
    %swap3A_1254 = arith.constant 0 : index
    %swap3A_1255 = arith.constant 14 : index
    %swap3A_1256 = arith.constant 0 : index
    %swap3A_1257 = arith.constant 0 : index
    %swap3A_1258 = arith.constant 0 : index
    %swap3A_1259 = vector.load %arg4[%swap3A_1254, %swap3A_1255, %swap3A_1256, %swap3A_1257, %swap3A_1258] : memref<1x16x16x8x128xf32, #tpu.memory_space<vmem>>, vector<1x1x16x8x128xf32>
    %swap3A_1260 = vector.shape_cast %swap3A_1259 : vector<1x1x16x8x128xf32> to vector<16x8x128xf32>
    %swap3A_1261 = vector.shape_cast %reshape3A_1245 : vector<16x8x128xf32> to vector<1x1x16x8x128xf32>
    tpu.vector_store %arg4[%swap3A_1254, %swap3A_1255, %swap3A_1256, %swap3A_1257, %swap3A_1258], %swap3A_1261 {strides = array<i32>} : memref<1x16x16x8x128xf32, #tpu.memory_space<vmem>>, vector<1x1x16x8x128xf32>,
    %add3A_1262 = arith.constant 15 : i32
    %add3A_1263 = arith.addi %mul3A_2, %add3A_1262 : i32
    %add3A_1264 = arith.constant 128 : i32
    %add3A_1265 = arith.addi %add3A_1263, %add3A_1264 : i32
    %sub3A_1266 = arith.constant 64 : i32
    %sub3A_1267 = arith.subi %add3A_1265, %sub3A_1266 : i32
    %jit3A_1268 = arith.constant 128 : i32
    %div3A_1269 = arith.divsi %sub3A_1267, %jit3A_1268 : i32
    %sign3A_1270 = arith.constant 0 : i32
    %sign3A_1271 = arith.cmpi sgt, %sub3A_1267, %sign3A_1270 : i32
    %sign3A_1272 = arith.extui %sign3A_1271 : i1 to i32
    %sign3A_1273 = arith.constant 0 : i32
    %sign3A_1274 = arith.cmpi slt, %sub3A_1267, %sign3A_1273 : i32
    %sign3A_1275 = arith.extui %sign3A_1274 : i1 to i32
    %sign3A_1276 = arith.subi %sign3A_1272, %sign3A_1275 : i32
    %sign3A_1277 = arith.constant 0 : i32
    %sign3A_1278 = arith.cmpi sgt, %jit3A_1268, %sign3A_1277 : i32
    %sign3A_1279 = arith.extui %sign3A_1278 : i1 to i32
    %sign3A_1280 = arith.constant 0 : i32
    %sign3A_1281 = arith.cmpi slt, %jit3A_1268, %sign3A_1280 : i32
    %sign3A_1282 = arith.extui %sign3A_1281 : i1 to i32
    %sign3A_1283 = arith.subi %sign3A_1279, %sign3A_1282 : i32
    %ne3A_1284 = arith.cmpi ne, %sign3A_1276, %sign3A_1283 : i32
    %rem3A_1285 = arith.remsi %sub3A_1267, %jit3A_1268 : i32
    %ne3A_1286 = arith.constant 0 : i32
    %ne3A_1287 = arith.cmpi ne, %rem3A_1285, %ne3A_1286 : i32
    %and3A_1288 = arith.andi %ne3A_1284, %ne3A_1287 : i1
    %sub3A_1289 = arith.constant 1 : i32
    %sub3A_1290 = arith.subi %div3A_1269, %sub3A_1289 : i32
    %select_n3A_1291 = arith.select %and3A_1288, %sub3A_1290, %div3A_1269 : i32
    %mul3A_1292 = arith.constant 128 : i32
    %mul3A_1293 = arith.muli %select_n3A_1291, %mul3A_1292 : i32
    %multiple_of3A_1294 = tpu.assume_multiple %mul3A_1293, 128 : i32
    %jit3A_1295 = arith.constant 128 : i32
    %eq3A_1296 = arith.constant 0 : i32
    %eq3A_1297 = arith.cmpi eq, %jit3A_1295, %eq3A_1296 : i32
    %jit3A_1298 = arith.constant 1 : i32
    %select_n3A_1299 = arith.select %eq3A_1297, %jit3A_1298, %jit3A_1295 : i32
    %rem3A_1300 = arith.remsi %sub3A_1267, %select_n3A_1299 : i32
    %ne3A_1301 = arith.constant 0 : i32
    %ne3A_1302 = arith.cmpi ne, %rem3A_1300, %ne3A_1301 : i32
    %lt3A_1303 = arith.constant 0 : i32
    %lt3A_1304 = arith.cmpi slt, %rem3A_1300, %lt3A_1303 : i32
    %lt3A_1305 = arith.constant 0 : i32
    %lt3A_1306 = arith.cmpi slt, %select_n3A_1299, %lt3A_1305 : i32
    %ne3A_1307 = arith.xori %lt3A_1304, %lt3A_1306 : i1
    %and3A_1308 = arith.andi %ne3A_1307, %ne3A_1302 : i1
    %add3A_1309 = arith.addi %rem3A_1300, %select_n3A_1299 : i32
    %select_n3A_1310 = arith.select %and3A_1308, %add3A_1309, %rem3A_1300 : i32
    %get3A_1311 = arith.constant 0 : index
    %get3A_1312 = arith.index_cast %multiple_of3A_1294 : i32 to index
    %get3A_1313 = vector.load %arg5[%get3A_1311, %get3A_1312] : memref<128x384xf32, #tpu.memory_space<vmem>>, vector<128x128xf32>
    %add3A_1314 = arith.constant 128 : i32
    %add3A_1315 = arith.addi %multiple_of3A_1294, %add3A_1314 : i32
    %get3A_1316 = arith.constant 0 : index
    %get3A_1317 = arith.index_cast %add3A_1315 : i32 to index
    %get3A_1318 = vector.load %arg5[%get3A_1316, %get3A_1317] : memref<128x384xf32, #tpu.memory_space<vmem>>, vector<128x128xf32>
    %sub3A_1319 = arith.constant 128 : i32
    %sub3A_1320 = arith.subi %sub3A_1319, %select_n3A_1310 : i32
    %lt3A_1321 = vector.broadcast %sub3A_1320 : i32 to vector<128x128xi32>
    %lt3A_1322 = arith.cmpi slt, %iota3A, %lt3A_1321 : vector<128x128xi32>
    %neg3A_1323 = arith.constant 0 : i32
    %neg3A_1324 = arith.subi %neg3A_1323, %select_n3A_1310 : i32
    %roll3A_1325 = tpu.dynamic_rotate %get3A_1313 by %neg3A_1324 dim 1 : vector<128x128xf32>, i32 -> vector<128x128xf32>
    %neg3A_1326 = arith.constant 0 : i32
    %neg3A_1327 = arith.subi %neg3A_1326, %select_n3A_1310 : i32
    %roll3A_1328 = tpu.dynamic_rotate %get3A_1318 by %neg3A_1327 dim 1 : vector<128x128xf32>, i32 -> vector<128x128xf32>
    %select_n3A_1329 = arith.select %lt3A_1322, %roll3A_1325, %roll3A_1328 : vector<128x128xi1>, vector<128x128xf32>
    %reshape3A_1330 = vector.shape_cast %select_n3A_1329 : vector<128x128xf32> to vector<16x8x128xf32>
    %swap3A_1331 = arith.constant 0 : index
    %swap3A_1332 = arith.constant 15 : index
    %swap3A_1333 = arith.constant 0 : index
    %swap3A_1334 = arith.constant 0 : index
    %swap3A_1335 = arith.constant 0 : index
    %swap3A_1336 = vector.load %arg3[%swap3A_1331, %swap3A_1332, %swap3A_1333, %swap3A_1334, %swap3A_1335] : memref<1x16x16x8x128xf32, #tpu.memory_space<vmem>>, vector<1x1x16x8x128xf32>
    %swap3A_1337 = vector.shape_cast %swap3A_1336 : vector<1x1x16x8x128xf32> to vector<16x8x128xf32>
    %swap3A_1338 = vector.shape_cast %reshape3A_1330 : vector<16x8x128xf32> to vector<1x1x16x8x128xf32>
    tpu.vector_store %arg3[%swap3A_1331, %swap3A_1332, %swap3A_1333, %swap3A_1334, %swap3A_1335], %swap3A_1338 {strides = array<i32>} : memref<1x16x16x8x128xf32, #tpu.memory_space<vmem>>, vector<1x1x16x8x128xf32>,
    %swap3A_1339 = arith.constant 0 : index
    %swap3A_1340 = arith.constant 15 : index
    %swap3A_1341 = arith.constant 0 : index
    %swap3A_1342 = arith.constant 0 : index
    %swap3A_1343 = arith.constant 0 : index
    %swap3A_1344 = vector.load %arg4[%swap3A_1339, %swap3A_1340, %swap3A_1341, %swap3A_1342, %swap3A_1343] : memref<1x16x16x8x128xf32, #tpu.memory_space<vmem>>, vector<1x1x16x8x128xf32>
    %swap3A_1345 = vector.shape_cast %swap3A_1344 : vector<1x1x16x8x128xf32> to vector<16x8x128xf32>
    %swap3A_1346 = vector.shape_cast %reshape3A_1330 : vector<16x8x128xf32> to vector<1x1x16x8x128xf32>
    tpu.vector_store %arg4[%swap3A_1339, %swap3A_1340, %swap3A_1341, %swap3A_1342, %swap3A_1343], %swap3A_1346 {strides = array<i32>} : memref<1x16x16x8x128xf32, #tpu.memory_space<vmem>>, vector<1x1x16x8x128xf32>,
    return
  }
  func.func @transform_0(%arg0: i32, %arg1: i32) -> (i32, i32, i32) {
    %c0_i32 = arith.constant 0 : i32
    %c0_i32_0 = arith.constant 0 : i32
    %c0_i32_1 = arith.constant 0 : i32
    return %arg0, %c0_i32, %c0_i32_0 : i32, i32, i32
  }
  func.func @transform_1(%arg0: i32, %arg1: i32) -> (i32, i32, i32, i32, i32) {
    %c0_i32 = arith.constant 0 : i32
    %c0_i32_0 = arith.constant 0 : i32
    %c0_i32_1 = arith.constant 0 : i32
    %c0_i32_2 = arith.constant 0 : i32
    return %arg0, %arg1, %c0_i32, %c0_i32_0, %c0_i32_1 : i32, i32, i32, i32, i32
  }
  func.func @transform_2(%arg0: i32, %arg1: i32) -> (i32, i32, i32, i32, i32) {
    %c0_i32 = arith.constant 0 : i32
    %c0_i32_0 = arith.constant 0 : i32
    %c0_i32_1 = arith.constant 0 : i32
    %c0_i32_2 = arith.constant 0 : i32
    return %arg0, %arg1, %c0_i32, %c0_i32_0, %c0_i32_1 : i32, i32, i32, i32, i32
  }
}

</mosaic_0001>

<sc_bundles>
// kernel: _run.4.cloned.1.call-start
scs
__scs_entry_jumppad:
0x0: {  	(pc) =	sbr.rel $0x88, $3  }
0x1: {  	(tag) =	ssettag $0x0;
	lr =	simm.s32 $0x1  }
0x2: {  	[smem:$0x3FA0] =	sst lr;
	_ =	strace $0xD0000000  }
0x3: {  	_ = 	snop  }
0x4: {  	_ = 	snop  }
0x5: {  	_ = 	snop  }
0x6: {  	_ = 	snop  }
0x7: {  	_ = 	snop  }
__scs_overlays_trampoline_lowered:
0x8: {  	[smem:$0x3FAF] =	sst s0  }
0x9: {  	[smem:$0x3FB0] =	sst s1  }
0xa: {  	[smem:$0x3FB1] =	sst s2  }
0xb: {  	[smem:$0x3FB2] =	sst s3  }
0xc: {  	[smem:$0x3FB3] =	sst s4  }
0xd: {  	[smem:$0x3FB4] =	sst s5  }
0xe: {  	[smem:$0x3FB5] =	sst s6  }
0xf: {  	[smem:$0x3FB6] =	sst s7  }
0x10: {  	[smem:$0x3FB7] =	sst s8  }
0x11: {  	[smem:$0x3FB8] =	sst s9;
	s0 =	simm.s32 @!p0 $0x0  }
0x12: {  	s1 =	sld [smem:$0x3F9E];
	s0 =	simm.s32 @p0 $0x1  }
0x13: {  	[smem:$0x3FB9] =	sst s0;
	s0 =	simm.s32 @!p1 $0x0  }
0x14: {  	s2 =	sld [smem:$0x3F9D];
	s0 =	simm.s32 @p1 $0x1  }
0x15: {  	[smem:$0x3FBA] =	sst s0;
	s0 =	simm.s32 @!p2 $0x0  }
0x16: {  	s3 =	sld [smem:$0x3FDB];
	s0 =	simm.s32 @p2 $0x1  }
0x17: {  	s4 =	simm.s32 $0x1BF5;
	[smem:$0x3FBC] =	sst s0  }
0x18: {  	s0 =	sld [smem:$0x3F9F];
	_ =	swait.ge [sflag:s4], $0x0  }
0x19: {  	s7 =	sld [smem:$0x3FA0]  }
0x1a: {  	s8 =	sadd.s32 $0xFFFFE003, lr  }
0x1b: {  	s9 =	sadd.s32 $0xFFFFFEF7, lr;
	s5 =	simm.s32 $0xFFFFFFFF;
	p2 =	slt.u32 s8, $0xFFFFF086  }
0x1c: {  	p1 =	slt.u32 s9, $0xF7A;
	s5 =	simm.s32 @!p2 $0x0  }
0x1d: {  	s5 =	simm.s32 @p1 $0x1;
	p0 =	seq.s32 s7, s2  }
0x1e: {  	s7 =	smul.u32 @!p0 $0xF7A, s2;
	p2 =	seq.s32 @!p0 s5, $0x0  }
0x1f: {  	s9 =	smul.u32 $0xF7A, s1;
	s8 =	simm.s32 @!p0 $0x1BF5;
	p2 =	por !p2, p0  }
0x20: {  	[sflag:s8] =	ssyncset.s32 @!p0 $0xFFFFF086;
	s6 =	sadd.s32 @!p0 s3, s7;
	s7 =	simm.s32 @!p0 $0x108  }
0x21: {  	s3 =	sadd.s32 s3, s9;
	s6 =	sadd.s32 @!p0 $0x88, s6;
	s7 =	simm.s32 @p2 $0x1082  }
0x22: {  	[simem:s7], [sflag:s8] =	dma.local @!p0 [hbm:s6], $0xF7A  }
0x23: {  	s9 =	sor.u32 $0xD0000000, s2;
	s6 =	simm.s32 $0x108;
	_ =	swait.ge @!p0 [sflag:s8], $0x0  }
0x24: {  	s3 =	sadd.s32 $0x88, s3;
	s6 =	simm.s32 @!p1 $0x1082;
	[sflag:s4] =	ssyncset.s32 $0xFFFFF086  }
0x25: {  	[simem:s6], [sflag:s4] =	dma.local [hbm:s3], $0xF7A  }
0x26: {  	[smem:$0x3FA0] =	sst s1;
	(tag) =	ssettag s2;
	_ =	strace s9  }
0x27: {  	s1 =	sld [smem:$0x3FB0]  }
0x28: {  	s2 =	sld [smem:$0x3FB1]  }
0x29: {  	s4 =	sld [smem:$0x3FB3]  }
0x2a: {  	p0 =	seq.s32 s5, $0x0;
	s5 =	sld [smem:$0x3FB4]  }
0x2b: {  	s6 =	sld [smem:$0x3FB5]  }
0x2c: {  	s7 =	sld [smem:$0x3FB6]  }
0x2d: {  	s3 =	simm.s32 $0x108;
	s8 =	sld [smem:$0x3FB7]  }
0x2e: {  	s3 =	simm.s32 @!p0 $0x1082;
	s9 =	sld [smem:$0x3FB8]  }
0x2f: {  	lr =	sadd.s32 s0, s3;
	s0 =	sld [smem:$0x3FAF]  }
0x30: {  	s3 =	sld [smem:$0x3FB2]  }
0x31: {  	[smem:$0x3FBB] =	sst s10  }
0x32: {  	s10 =	sld [smem:$0x3FB9];
	_ =	sdelay $0x3  }
0x33: {  	p0 =	seq.s32 s10, $0x1;
	s10 =	sld [smem:$0x3FBB];
	_ =	sdelay $0x3  }
0x34: {  	[smem:$0x3FBB] =	sst s10  }
0x35: {  	s10 =	sld [smem:$0x3FBA];
	_ =	sdelay $0x3  }
0x36: {  	p1 =	seq.s32 s10, $0x1;
	s10 =	sld [smem:$0x3FBB];
	_ =	sdelay $0x3  }
0x37: {  	[smem:$0x3FBB] =	sst s10  }
0x38: {  	s10 =	sld [smem:$0x3FBC]  }
0x39: {  	_ = 	snop;
	(pc) =	sbr.ind lr, $3  }
0x3a: {  	_ = 	snop  }
0x3b: {  	_ = 	snop  }
0x3c: {  	p2 =	seq.s32 s10, $0x1;
	s10 =	sld [smem:$0x3FBB]  }
0x3d: {  	_ =	shalt  }
0x3e: {  	_ =	shalt  }
0x3f: {  	_ =	shalt  }
0x40: {  	_ =	shalt  }
0x41: {  	_ =	shalt  }
0x42: {  	_ =	shalt  }
0x43: {  	_ =	shalt  }
0x44: {  	_ =	shalt  }
0x45: {  	_ =	shalt  }
0x46: {  	_ =	shalt  }
0x47: {  	_ =	shalt  }
0x48: {  	_ =	shalt  }
0x49: {  	_ =	shalt  }
0x4a: {  	_ =	shalt  }
0x4b: {  	_ =	shalt  }
0x4c: {  	_ =	shalt  }
0x4d: {  	_ =	shalt  }
0x4e: {  	_ =	shalt  }
0x4f: {  	_ =	shalt  }
0x50: {  	_ =	shalt  }
0x51: {  	_ =	shalt  }
0x52: {  	_ =	shalt  }
0x53: {  	_ =	shalt  }
0x54: {  	_ =	shalt  }
0x55: {  	_ =	shalt  }
0x56: {  	_ =	shalt  }
0x57: {  	_ =	shalt  }
0x58: {  	_ =	shalt  }
0x59: {  	_ =	shalt  }
0x5a: {  	_ =	shalt  }
0x5b: {  	_ =	shalt  }
0x5c: {  	_ =	shalt  }
0x5d: {  	_ =	shalt  }
0x5e: {  	_ =	shalt  }
0x5f: {  	_ =	shalt  }
0x60: {  	_ =	shalt  }
0x61: {  	_ =	shalt  }
0x62: {  	_ =	shalt  }
0x63: {  	_ =	shalt  }
0x64: {  	_ =	shalt  }
0x65: {  	_ =	shalt  }
0x66: {  	_ =	shalt  }
0x67: {  	_ =	shalt  }
0x68: {  	_ =	shalt  }
0x69: {  	_ =	shalt  }
0x6a: {  	_ =	shalt  }
0x6b: {  	_ =	shalt  }
0x6c: {  	_ =	shalt  }
0x6d: {  	_ =	shalt  }
0x6e: {  	_ =	shalt  }
0x6f: {  	_ =	shalt  }
0x70: {  	_ =	shalt  }
0x71: {  	_ =	shalt  }
0x72: {  	_ =	shalt  }
0x73: {  	_ =	shalt  }
0x74: {  	_ =	shalt  }
0x75: {  	_ =	shalt  }
0x76: {  	_ =	shalt  }
0x77: {  	_ =	shalt  }
0x78: {  	_ =	shalt  }
0x79: {  	_ =	shalt  }
0x7a: {  	_ =	shalt  }
0x7b: {  	_ =	shalt  }
0x7c: {  	_ =	shalt  }
0x7d: {  	_ =	shalt  }
0x7e: {  	_ =	shalt  }
0x7f: {  	_ =	shalt  }
0x80: {  	_ =	shalt  }
0x81: {  	_ =	shalt  }
0x82: {  	_ =	shalt  }
0x83: {  	_ =	shalt  }
0x84: {  	_ =	shalt  }
0x85: {  	_ =	shalt  }
0x86: {  	_ =	shalt  }
0x87: {  	_ =	shalt  }
.Lfunc_end0:
.L_simem_size_0:
called_computation_lowered:
.L_overlay_start_0:
0x88: {  	s2 =	sld [smem:$0x3FD9]  }
0x89: {  	s3 =	sld [smem:$0x3FFE];
	_ =	sdelay $0x1  }
0x8a: {  	s1 =	srdreg.scid  }
0x8b: {  	s0 =	sand.u32 $0x1, s1  }
0x8c: {  	s15 =	sshll.u32 s0, $0xA;
	s2 =	sadd.s32 s3, s2  }
0x8d: {  	s2 =	sadd.s32 s2, s15  }
0x8e: {  	[smem:$0x3FC7] =	sst s2  }
0x8f: {  	_ = 	snop  }
0x90: {  	s2 =	sld [smem:$0x3FD0];
	_ =	sdelay $0x2  }
0x91: {  	s4 =	simm.s32 $0xA;
	s5 =	simm.s32 $0x10;
	s16 =	sld [smem:$0x3FC9]  }
0x92: {  	[smem:s5], [sflag:s4] =	dma.local [hbm:s2], $0x1  }
0x93: {  	_ =	swait.eq [sflag:s4], $0x1  }
0x94: {  	[sflag:s4] =	ssyncset.done $0x0  }
0x95: {  	s17 =	sld [smem:$0x10];
	[sflag:s4] =	ssyncadd.s32 $0xFFFFFFFF  }
0x96: {  	s18 =	sld [smem:$0x11];
	(tm) =	ssettm $0x1  }
0x97: {  	s19 =	sld [smem:$0x3FFB];
	_ =	sdelay $0x3  }
0x98: {  	_ =	strace s19  }
0x99: {  	s5 =	sld [smem:$0x3FFC];
	_ =	sdelay $0x3  }
0x9a: {  	_ =	strace s5  }
0x9b: {  	s5 =	sld [smem:$0x3FFD];
	_ =	sdelay $0x3  }
0x9c: {  	_ =	strace s5  }
0x9d: {  	_ =	strace $0x8FFFFFFF  }
0x9e: {  	s20 =	sld [smem:$0x3FDB];
	_ =	sdelay $0x1  }
0x9f: {  	s6 =	simm.s32 $_scs_section_size  }
0xa0: {  	s7 =	simm.s32 $_size__tile_overlayer_lowered;
	s8 =	simm.s32 $_tile_overlayer_lowered  }
0xa1: {  	s23 =	simm.s32 $0x1BFF;
	s22 =	sshll.u32 s8, $0x1;
	s5 =	sadd.s32 s6, s20  }
0xa2: {  	s9 =	simm.s32 $0x0;
	s21 =	sshll.u32 s7, $0x1;
	s7 =	sadd.s32 s22, s5  }
0xa3: {  	[timem:s9], [sflag:s23] =	dma.local [hbm:s7], s21  }
0xa4: {  	_ =	swait.ge [sflag:s23], s21  }
0xa5: {  	s6 =	ssub.s32 $0x0, s21;
	[sflag:s23] =	ssyncset.done $0x0  }
0xa6: {  	[sflag:s23] =	ssyncadd.s32 s6;
	_ =	sdelay $0x1  }
0xa7: {  	s24 =	simm.s32 $0x1B8B  }
0xa8: {  	_ =	swait.ge [sflag:s24], $0x1  }
0xa9: {  	[sflag:s24] =	ssyncset.done $0x0  }
0xaa: {  	s25 =	simm.s32 $0x1B8E;
	[sflag:s24] =	ssyncadd.s32 $0xFFFFFFFF  }
0xab: {  	s26 =	simm.s32 $execute0_lowered;
	[smem:$0x3FD2] =	sst s25  }
0xac: {  	s6 =	sshll.u32 s26, $0x1;
	_ =	strace $0x80000046;
	[dreg:$0x1] =	wrdreg $0xFFFFFFFF  }
0xad: {  	s28 =	simm.s32 $_size_execute0_lowered;
	s5 =	sadd.s32 s5, s6;
	[dreg:$0x0] =	wrdreg $0x0  }
0xae: {  	s6 =	sshll.u32 s28, $0x1;
	[dreg:$0x2] =	wrdreg s5  }
0xaf: {  	[dreg:$0x3] =	wrdreg s6  }
0xb0: {  	[dreg:$0x4] =	wrdreg $0xC0  }
0xb1: {  	_ =	task [dreg:s9], $0x5FFFF  }
0xb2: {  	[dreg:$0x1] =	wrdreg $0xFFFFFFFF  }
0xb3: {  	[dreg:$0x0] =	wrdreg $0x60  }
0xb4: {  	[dreg:$0x2] =	wrdreg s16  }
0xb5: {  	[dreg:$0x3] =	wrdreg s17  }
0xb6: {  	[dreg:$0x4] =	wrdreg s18  }
0xb7: {  	[dreg:$0x5] =	wrdreg $0x9  }
0xb8: {  	_ =	task.clear_ibuf [dreg:s9], $0x6FFFF;
	_ =	strace $0x90000046  }
0xb9: {  	s29 =	simm.s32 $0x9;
	_ =	strace $0x80000048  }
0xba: {  	_ =	swait.ge [sflag:s29], $0x1  }
0xbb: {  	[sflag:s29] =	ssyncadd.s32 $0xFFFFFFFF  }
0xbc: {  	_ =	strace $0x90000048  }
0xbd: {  	_ =	sfence  }
0xbe: {  	s30 =	sld [smem:$0x0];
	_ =	sdelay $0x2  }
0xbf: {  	s31 =	sshll.u32 s1, $0xD;
	s1 =	sshrl.u32 s1, $0x2  }
0xc0: {  	s3 =	sand.u32 $0x4000, s31;
	s1 =	sadd.s32 s1, s30  }
0xc1: {  	s0 =	sor.u32 s3, s0;
	s1 =	sshll.u32 s1, $0x11  }
0xc2: {  	s0 =	sor.u32 s1, s0  }
0xc3: {  	s0 =	sadd.s32 $0x8F2B, s0  }
0xc4: {  	[sflag:s0] =	ssyncadd.remote.s32 $0x1  }
0xc5: {  	_ =	sfence.sel $0xFFFF  }
0xc6: {  	[dreg:$0x0] =	wrdreg $0xFFFFFFFF;
	(pc) =	sbr.abs _section_cstart, $3  }
0xc7: {  	[dreg:$0x1] =	wrdreg $0xFFFFFFFF  }
0xc8: {  	_ =	task.clear_ibuf [dreg:s9], $0x2FFFF;
	_ =	strace $0x9FFFFFFF  }
0xc9: {  	(tm) =	ssettm $0x7FFFFFFF  }
tec
execute0_lowered:
.L_overlay_start_1:
0x0: {  	(tag) =	ssettag $0x1  }
0x1: {  	s5 =	rddreg [dreg:$0x0]  }
0x2: {  	s9 =	rddreg [dreg:$0x1]  }
0x3: {  	s2 =	rddreg [dreg:$0x2]  }
0x4: {  	s0 =	rddreg [dreg:$0x3];
	s1 =	stileid.u32  }
0x5: {  	s3 =	simm.s32 $0x0;
	s4 =	srdreg.scid;
	s6 =	sshll.u32 s1, $0x1  }
0x6: {  	[smem:$0x7FF] =	sst s3;
	s10 =	sand.u32 $0x1, s4;
	s8 =	sshrl.u32 s1, $0x2  }
0x7: {  	s29 =	sand.u32 $0x3, s1;
	s19 =	sand.u32 $0x6, s6;
	_ =	strace $0x80000047  }
0x8: {  	v9 =	vlaneseq.u32;
	s20 =	ssub.s32 $0x2, s10;
	s21 =	sshll.u32 s8, $0xB;
	s23 =	sshll.u32 s8, $0x11  }
0x9: {  	v7 =	vmul.u32 $0x80, v9;
	s6 =	sshll.u32 s8, $0x13;
	s30 =	sshll.u32 s29, $0xA;
	s15 =	sshll.u32 s10, $0x9  }
0xa: {  	v10 =	vimm.f32 $0.0e+00;
	s4 =	sor.u32 s10, s19;
	s7 =	sshrl.u32 s20, $0x1;
	s5 =	sadd.s32 s5, s21  }
0xb: {  	s31 =	sor.u32 s15, s30;
	v11 =	vor.u32 $0x800, v7;
	v12 =	vor.u32 $0x1000, v7;
	v13 =	vor.u32 $0x1800, v7;
	s10 =	sshll.u32 s10, $0xA;
	s11 =	sor.u32 $0xFFFFFFF0, s4  }
0xc: {  	v14 =	vor.u32 $0x2000, v7;
	v15 =	vor.u32 $0x2800, v7;
	v16 =	vor.u32 $0x3000, v7;
	s12 =	ssub.s32 s20, s7;
	s22 =	sor.u32 $0x70, s4;
	s24 =	sor.u32 $0x10, s4  }
0xd: {  	v17 =	vor.u32 $0x3800, v7;
	s25 =	sor.u32 $0x20, s4;
	s13 =	sor.u32 $0x30, s4;
	s14 =	sor.u32 $0x40, s4;
	v8 =	vadd.s32 s4, v9;
	v18 =	vadd.s32 s11, v9  }
0xe: {  	s26 =	sor.u32 $0x50, s4;
	s28 =	sor.u32 $0x60, s4;
	v19 =	vadd.s32 s22, v9;
	v2 =	vadd.s32 s24, v9;
	v3 =	vadd.s32 s25, v9;
	s8 =	smax.u32 s12, $0x1  }
0xf: {  	v4 =	vadd.s32 s13, v9;
	v5 =	vadd.s32 s14, v9;
	v6 =	vadd.s32 s26, v9;
	s12 =	sshrl.u32 s31, $0x2;
	s11 =	sadd.s32 s23, s9;
	s13 =	sshll.u32 s29, $0xB  }
0x10: {  	s7 =	sadd.s32 $0x80, s2;
	v9 =	vadd.s32 s28, v9;
	vm0 =	vgt.s32 v18, $0x0;
	v1 =	vmin.u32 v19, $0x7F;
	s9 =	sor.u32 $0x10000, s12;
	s11 =	sadd.s32 s13, s11  }
0x11: {  	vm1 =	vlt.u32 v18, $0x80;
	s12 =	simm.s32 $0x0;
	v0 =	vnsel vm0, $0x0, v18;
	s10 =	sadd.s32 s10, s11;
	s11 =	simm.s32 $0x1;
	vm0 =	vlt.u32 v19, $0x80  }
.LBB2_1:
0x12: {  	s13 =	simm.s32 $0x0  }
0x13: {  	s14 =	sand.u32 $0x7, s3;
	s13 =	smul.u32 $0x3000, s13  }
0x14: {  	s14 =	smul.u32 $0x600, s14  }
0x15: {  	[tilespmem:s3], [sflag:$0x1] =	stream.linear.gather [hbm4b:s5+s3], $0x4000, $0x38;
	[tilespmem:$0x16000] =	vst v63  }
0x16: {  	s13 =	sshra.s32 s13, $0x2;
	s14 =	sshrl.u32 s14, $0x2  }
0x17: {  	s13 =	sadd.s32 s14, s13  }
0x18: {  	[tilespmem:s13+$0x4170] =	vst v10  }
0x19: {  	[tilespmem:s13+$0x4000] =	vst v10  }
0x1a: {  	[tilespmem:s13+$0x4010] =	vst v10  }
0x1b: {  	[tilespmem:s13+$0x4020] =	vst v10  }
0x1c: {  	[tilespmem:s13+$0x4030] =	vst v10  }
0x1d: {  	[tilespmem:s13+$0x4040] =	vst v10  }
0x1e: {  	[tilespmem:s13+$0x4050] =	vst v10  }
0x1f: {  	[tilespmem:s13+$0x4060] =	vst v10  }
0x20: {  	[tilespmem:s13+$0x4100] =	vst v10  }
0x21: {  	s31 =	simm.s32 $0x1;
	s15 =	simm.s32 $0x0;
	[tilespmem:s13+$0x4110] =	vst v10  }
0x22: {  	s16 =	sand.u32 $0x7, s31;
	s15 =	smul.u32 $0x3000, s15;
	s14 =	simm.s32 $0x2;
	[tilespmem:s13+$0x4120] =	vst v10  }
.LBB2_2:
0x23: {  	p0 =	sne.s32 s14, $0x7F;
	s16 =	smul.u32 $0x600, s16;
	[tilespmem:s13+$0x4130] =	vst v10  }
0x24: {  	[tilespmem:s13+$0x4140] =	vst v10  }
0x25: {  	s15 =	sshra.s32 s15, $0x2;
	s16 =	sshrl.u32 s16, $0x2;
	[tilespmem:s13+$0x4150] =	vst v10  }
0x26: {  	[tilespmem:s13+$0x4160] =	vst v10;
	s13 =	sadd.s32 s16, s15  }
0x27: {  	[tilespmem:s13+$0x4170] =	vst v10  }
0x28: {  	[tilespmem:s13+$0x4000] =	vst v10  }
0x29: {  	[tilespmem:s13+$0x4010] =	vst v10  }
0x2a: {  	[tilespmem:s13+$0x4020] =	vst v10  }
0x2b: {  	[tilespmem:s13+$0x4030] =	vst v10  }
0x2c: {  	[tilespmem:s13+$0x4040] =	vst v10  }
.Ltmp0:
0x2d: {  	[tilespmem:s13+$0x4050] =	vst v10;
	(pc) =	sbr.rel @p0 .LBB2_2-.Ltmp0, $4  }
0x2e: {  	[tilespmem:s13+$0x4060] =	vst v10  }
0x2f: {  	[tilespmem:s13+$0x4100] =	vst v10  }
0x30: {  	s15 =	sshrl.u32 s14, $0x3;
	[tilespmem:s13+$0x4110] =	vst v10  }
0x31: {  	s16 =	sand.u32 $0x7, s14;
	s14 =	sadd.s32 $0x1, s14;
	s15 =	smul.u32 $0x3000, s15;
	[tilespmem:s13+$0x4120] =	vst v10  }
0x32: {  	s14 =	smul.u32 $0x600, s16;
	[tilespmem:s13+$0x4130] =	vst v10  }
0x33: {  	[tilespmem:s13+$0x4140] =	vst v10  }
0x34: {  	[tilespmem:s13+$0x4150] =	vst v10;
	s15 =	sshra.s32 s15, $0x2;
	s14 =	sshrl.u32 s14, $0x2  }
0x35: {  	[tilespmem:s13+$0x4160] =	vst v10;
	s14 =	sadd.s32 s14, s15  }
0x36: {  	[tilespmem:s14+$0x4170] =	vst v10  }
0x37: {  	[tilespmem:s14+$0x4000] =	vst v10  }
0x38: {  	[tilespmem:s14+$0x4010] =	vst v10  }
0x39: {  	[tilespmem:s14+$0x4020] =	vst v10  }
0x3a: {  	[tilespmem:s14+$0x4030] =	vst v10  }
0x3b: {  	[tilespmem:s14+$0x4040] =	vst v10  }
0x3c: {  	[tilespmem:s14+$0x4050] =	vst v10  }
0x3d: {  	[tilespmem:s14+$0x4060] =	vst v10  }
0x3e: {  	[tilespmem:s14+$0x4100] =	vst v10  }
0x3f: {  	p0 =	por $0x1, $0x1;
	[tilespmem:s14+$0x4110] =	vst v10  }
.Ltmp1:
0x40: {  	[tilespmem:s14+$0x4120] =	vst v10;
	(pc) =	sbr.rel @!p0 .LBB2_5-.Ltmp1, $4  }
0x41: {  	[tilespmem:s14+$0x4130] =	vst v10  }
0x42: {  	[tilespmem:s14+$0x4140] =	vst v10  }
0x43: {  	[tilespmem:s14+$0x4150] =	vst v10  }
0x44: {  	s13 =	simm.s32 $0x0;
	s15 =	simm.s32 $0x200;
	[tilespmem:s14+$0x4160] =	vst v10;
	s14 =	simm.s32 $0x0  }
.LBB2_4:
0x45: {  	p1 =	sne.s32 s15, $0x3E00;
	[tilespmem:s13+$0x10070] =	vst v10  }
0x46: {  	[tilespmem:s13+$0x10000] =	vst v10  }
0x47: {  	[tilespmem:s13+$0x10010] =	vst v10  }
.Ltmp2:
0x48: {  	[tilespmem:s13+$0x10020] =	vst v10;
	(pc) =	sbr.rel @p1 .LBB2_4-.Ltmp2, $4  }
0x49: {  	[tilespmem:s13+$0x10030] =	vst v10  }
0x4a: {  	[tilespmem:s13+$0x10040] =	vst v10  }
0x4b: {  	[tilespmem:s13+$0x10050] =	vst v10  }
0x4c: {  	[tilespmem:s13+$0x10060] =	vst v10;
	s13 =	sshra.s32 s15, $0x2;
	s15 =	sadd.s32 $0x200, s15  }
.LBB2_5:
0x4d: {  	[tilespmem:s13+$0x10070] =	vst v10  }
0x4e: {  	[tilespmem:s13+$0x10000] =	vst v10  }
0x4f: {  	[tilespmem:s13+$0x10010] =	vst v10  }
.Ltmp3:
0x50: {  	[tilespmem:s13+$0x10020] =	vst v10;
	(pc) =	sbr.rel @!p0 .LBB2_7-.Ltmp3, $4  }
0x51: {  	[tilespmem:s13+$0x10030] =	vst v10  }
0x52: {  	[tilespmem:s13+$0x10040] =	vst v10  }
0x53: {  	[tilespmem:s13+$0x10050] =	vst v10  }
0x54: {  	[tilespmem:s13+$0x10060] =	vst v10;
	s13 =	simm.s32 $0x200  }
.LBB2_6:
0x55: {  	p0 =	sne.s32 s13, $0x3E00;
	[tilespmem:s14+$0x15070] =	vst v10  }
0x56: {  	[tilespmem:s14+$0x15000] =	vst v10  }
0x57: {  	[tilespmem:s14+$0x15010] =	vst v10  }
.Ltmp4:
0x58: {  	[tilespmem:s14+$0x15020] =	vst v10;
	(pc) =	sbr.rel @p0 .LBB2_6-.Ltmp4, $4  }
0x59: {  	[tilespmem:s14+$0x15030] =	vst v10  }
0x5a: {  	[tilespmem:s14+$0x15040] =	vst v10  }
0x5b: {  	[tilespmem:s14+$0x15050] =	vst v10  }
0x5c: {  	[tilespmem:s14+$0x15060] =	vst v10;
	s14 =	sshra.s32 s13, $0x2;
	s13 =	sadd.s32 $0x200, s13  }
.LBB2_7:
0x5d: {  	[tilespmem:s14+$0x15070] =	vst v10  }
0x5e: {  	[tilespmem:s14+$0x15000] =	vst v10  }
0x5f: {  	[tilespmem:s14+$0x15010] =	vst v10  }
0x60: {  	[tilespmem:s14+$0x15020] =	vst v10  }
0x61: {  	[tilespmem:s14+$0x15030] =	vst v10  }
0x62: {  	[tilespmem:s14+$0x15040] =	vst v10;
	s13 =	simm.s32 $0x0  }
0x63: {  	[tilespmem:s14+$0x15050] =	vst v10;
	v18 =	vadd.s32 s13, v7  }
0x64: {  	[tilespmem:s14+$0x15060] =	vst v10  }
0x65: {  	_ =	swait.ge [sflag:s11], $0x4000  }
0x66: {  	[sflag:s11] =	ssyncset.done $0x0  }
0x67: {  	[sflag:s11] =	ssyncadd.s32 $0xFFFFC000  }
0x68: {  	v18 =	vld.idx.msk [tilespmem:v18+s13+$0x0], $0xffff  }
0x69: {  	v19 =	vadd.s32 s13, v11;
	_ =	sdelay $0x2  }
0x6a: {  	s14 =	simm.s32 $0x11070  }
0x6b: {  	[tilespmem:s14+$0xFFFFFF90] =	vst v18  }
0x6c: {  	v18 =	vld.idx.msk [tilespmem:v19+s13+$0x0], $0xffff  }
0x6d: {  	v19 =	vadd.s32 s13, v12;
	_ =	sdelay $0x3  }
0x6e: {  	[tilespmem:s14+$0xFFFFFFA0] =	vst v18  }
0x6f: {  	v18 =	vld.idx.msk [tilespmem:v19+s13+$0x0], $0xffff  }
0x70: {  	v19 =	vadd.s32 s13, v13;
	_ =	sdelay $0x3  }
0x71: {  	[tilespmem:s14+$0xFFFFFFB0] =	vst v18  }
0x72: {  	v18 =	vld.idx.msk [tilespmem:v19+s13+$0x0], $0xffff  }
0x73: {  	v19 =	vadd.s32 s13, v14;
	_ =	sdelay $0x3  }
0x74: {  	[tilespmem:s14+$0xFFFFFFC0] =	vst v18  }
0x75: {  	v18 =	vld.idx.msk [tilespmem:v19+s13+$0x0], $0xffff  }
0x76: {  	v19 =	vadd.s32 s13, v15;
	_ =	sdelay $0x3  }
0x77: {  	[tilespmem:s14+$0xFFFFFFD0] =	vst v18  }
0x78: {  	v18 =	vld.idx.msk [tilespmem:v19+s13+$0x0], $0xffff  }
0x79: {  	v19 =	vadd.s32 s13, v16;
	_ =	sdelay $0x3  }
0x7a: {  	[tilespmem:s14+$0xFFFFFFE0] =	vst v18  }
0x7b: {  	v18 =	vld.idx.msk [tilespmem:v19+s13+$0x0], $0xffff  }
0x7c: {  	v19 =	vadd.s32 s13, v17;
	_ =	sdelay $0x3  }
0x7d: {  	[tilespmem:s14+$0xFFFFFFF0] =	vst v18  }
0x7e: {  	s15 =	simm.s32 $0x1;
	v18 =	vld.idx.msk [tilespmem:v19+s13+$0x0], $0xffff  }
0x7f: {  	s16 =	simm.s32 $0x2;
	v19 =	vadd.s32 s15, v7  }
.LBB2_8:
0x80: {  	p0 =	sne.s32 s16, $0x7F;
	_ =	sdelay $0x2  }
0x81: {  	[tilespmem:s14+$0x0] =	vst v18  }
0x82: {  	v18 =	vld.idx.msk [tilespmem:v19+s13+$0x0], $0xffff;
	_ =	sdelay $0x1  }
0x83: {  	v19 =	vadd.s32 s15, v11;
	_ =	sdelay $0x2  }
0x84: {  	s14 =	sadd.s32 $0x80, s14  }
0x85: {  	[tilespmem:s14+$0xFFFFFF90] =	vst v18  }
0x86: {  	v18 =	vld.idx.msk [tilespmem:v19+s13+$0x0], $0xffff;
	_ =	sdelay $0x1  }
0x87: {  	v19 =	vadd.s32 s15, v12;
	_ =	sdelay $0x3  }
0x88: {  	[tilespmem:s14+$0xFFFFFFA0] =	vst v18  }
0x89: {  	v18 =	vld.idx.msk [tilespmem:v19+s13+$0x0], $0xffff;
	_ =	sdelay $0x1  }
0x8a: {  	v19 =	vadd.s32 s15, v13;
	_ =	sdelay $0x3  }
0x8b: {  	[tilespmem:s14+$0xFFFFFFB0] =	vst v18  }
0x8c: {  	v18 =	vld.idx.msk [tilespmem:v19+s13+$0x0], $0xffff;
	_ =	sdelay $0x1  }
0x8d: {  	v19 =	vadd.s32 s15, v14;
	_ =	sdelay $0x3  }
0x8e: {  	[tilespmem:s14+$0xFFFFFFC0] =	vst v18  }
0x8f: {  	v18 =	vld.idx.msk [tilespmem:v19+s13+$0x0], $0xffff;
	_ =	sdelay $0x1  }
0x90: {  	v19 =	vadd.s32 s15, v15;
	_ =	sdelay $0x3  }
0x91: {  	[tilespmem:s14+$0xFFFFFFD0] =	vst v18  }
0x92: {  	v18 =	vld.idx.msk [tilespmem:v19+s13+$0x0], $0xffff;
	_ =	sdelay $0x1  }
0x93: {  	v19 =	vadd.s32 s15, v16;
	_ =	sdelay $0x3  }
0x94: {  	[tilespmem:s14+$0xFFFFFFE0] =	vst v18  }
0x95: {  	v18 =	vld.idx.msk [tilespmem:v19+s13+$0x0], $0xffff;
	_ =	sdelay $0x1  }
0x96: {  	v19 =	vadd.s32 s15, v17;
	s15 =	smov.u32 s16;
	_ =	sdelay $0x2  }
.Ltmp5:
0x97: {  	(pc) =	sbr.rel @p0 .LBB2_8-.Ltmp5, $3  }
0x98: {  	[tilespmem:s14+$0xFFFFFFF0] =	vst v18  }
0x99: {  	v18 =	vld.idx.msk [tilespmem:v19+s13+$0x0], $0xffff;
	_ =	sdelay $0x1  }
0x9a: {  	s16 =	sadd.s32 $0x1, s16;
	v19 =	vadd.s32 s15, v7  }
0x9b: {  	_ =	sdelay $0x2  }
0x9c: {  	[tilespmem:s14+$0x0] =	vst v18  }
0x9d: {  	v18 =	vld.idx.msk [tilespmem:v19+s13+$0x0], $0xffff  }
0x9e: {  	v19 =	vadd.s32 s15, v11;
	_ =	sdelay $0x2  }
0x9f: {  	s30 =	sadd.s32 $0x80, s14  }
0xa0: {  	[tilespmem:s30+$0xFFFFFF90] =	vst v18  }
0xa1: {  	v18 =	vld.idx.msk [tilespmem:v19+s13+$0x0], $0xffff  }
0xa2: {  	v19 =	vadd.s32 s15, v12;
	_ =	sdelay $0x3  }
0xa3: {  	[tilespmem:s30+$0xFFFFFFA0] =	vst v18  }
0xa4: {  	v18 =	vld.idx.msk [tilespmem:v19+s13+$0x0], $0xffff  }
0xa5: {  	v19 =	vadd.s32 s15, v13;
	_ =	sdelay $0x3  }
0xa6: {  	[tilespmem:s30+$0xFFFFFFB0] =	vst v18  }
0xa7: {  	v18 =	vld.idx.msk [tilespmem:v19+s13+$0x0], $0xffff  }
0xa8: {  	v19 =	vadd.s32 s15, v14;
	_ =	sdelay $0x3  }
0xa9: {  	[tilespmem:s30+$0xFFFFFFC0] =	vst v18  }
0xaa: {  	v18 =	vld.idx.msk [tilespmem:v19+s13+$0x0], $0xffff  }
0xab: {  	v19 =	vadd.s32 s15, v15;
	_ =	sdelay $0x3  }
0xac: {  	[tilespmem:s30+$0xFFFFFFD0] =	vst v18  }
0xad: {  	v18 =	vld.idx.msk [tilespmem:v19+s13+$0x0], $0xffff  }
0xae: {  	v19 =	vadd.s32 s15, v16;
	_ =	sdelay $0x3  }
0xaf: {  	[tilespmem:s30+$0xFFFFFFE0] =	vst v18  }
0xb0: {  	v18 =	vld.idx.msk [tilespmem:v19+s13+$0x0], $0xffff  }
0xb1: {  	v19 =	vadd.s32 s15, v17;
	_ =	sdelay $0x3  }
0xb2: {  	[tilespmem:s30+$0xFFFFFFF0] =	vst v18  }
0xb3: {  	v18 =	vld.idx.msk [tilespmem:v19+s13+$0x0], $0xffff;
	_ =	sdelay $0x3  }
0xb4: {  	s31 =	sadd.s32 $0x0, s9  }
0xb5: {  	s14 =	simm.s32 $0x1000;
	s15 =	smov.u32 s10;
	s13 =	simm.s32 $0x0;
	[tilespmem:s30+$0x0] =	vst v18  }
0xb6: {  	[hbm4b:s10+s13] =	stream.linear.scatter [tilespmem:s31], [sflag:$0x1], $0x2000, $0x38;
	[tilespmem:$0x16000] =	vst v63  }
.LBB2_10:
0xb7: {  	p0 =	sne.s32 s14, $0xF000  }
.Ltmp6:
0xb8: {  	_ = 	snop;
	(pc) =	sbr.rel @p0 .LBB2_10-.Ltmp6, $4  }
0xb9: {  	_ = 	snop  }
0xba: {  	s16 =	sshra.s32 s14, $0x2;
	s14 =	sadd.s32 $0x1000, s14  }
0xbb: {  	s15 =	sadd.s32 $0x2000, s15;
	s16 =	sadd.s32 s16, s9  }
0xbc: {  	[hbm4b:s15+s13] =	stream.linear.scatter [tilespmem:s16], [sflag:$0x1], $0x2000, $0x38;
	[tilespmem:$0x16000] =	vst v63  }
0xbd: {  	s14 =	simm.s32 $0x0  }
0xbe: {  	v18 =	vor.u32 s14, v0;
	_ =	sdelay $0x4  }
0xbf: {  	s15 =	simm.s32 $0x0;
	v18 =	vld.idx.msk [tilespmem:v18+s13+$0x0], $0xffff  }
0xc0: {  	s16 =	sand.u32 $0x7, s13;
	s15 =	smul.u32 $0x3000, s15  }
0xc1: {  	s16 =	smul.u32 $0x600, s16;
	v19 =	vor.u32 s14, v1;
	_ =	sdelay $0x1  }
0xc2: {  	s15 =	sshra.s32 s15, $0x2;
	s16 =	sshrl.u32 s16, $0x2  }
0xc3: {  	s15 =	sadd.s32 s16, s15;
	v18 =	vnsel vm1, $0x0, v18  }
0xc4: {  	[tilespmem:s15+$0x4070] =	vst v18  }
0xc5: {  	v18 =	vld.idx.msk [tilespmem:v19+s13+$0x0], $0xffff;
	_ =	sdelay $0x1  }
0xc6: {  	v19 =	vor.u32 s14, v8;
	_ =	sdelay $0x2  }
0xc7: {  	v18 =	vnsel vm0, $0x0, v18  }
0xc8: {  	[tilespmem:s15+$0x40F0] =	vst v18  }
0xc9: {  	v18 =	vld.idx.msk [tilespmem:v19+s13+$0x0], $0xffff  }
0xca: {  	v19 =	vor.u32 s14, v2;
	_ =	sdelay $0x3  }
0xcb: {  	[tilespmem:s15+$0x4080] =	vst v18  }
0xcc: {  	v18 =	vld.idx.msk [tilespmem:v19+s13+$0x0], $0xffff  }
0xcd: {  	v19 =	vor.u32 s14, v3;
	_ =	sdelay $0x3  }
0xce: {  	[tilespmem:s15+$0x4090] =	vst v18  }
0xcf: {  	v18 =	vld.idx.msk [tilespmem:v19+s13+$0x0], $0xffff  }
0xd0: {  	v19 =	vor.u32 s14, v4;
	_ =	sdelay $0x3  }
0xd1: {  	[tilespmem:s15+$0x40A0] =	vst v18  }
0xd2: {  	v18 =	vld.idx.msk [tilespmem:v19+s13+$0x0], $0xffff  }
0xd3: {  	v19 =	vor.u32 s14, v5;
	_ =	sdelay $0x3  }
0xd4: {  	[tilespmem:s15+$0x40B0] =	vst v18  }
0xd5: {  	v18 =	vld.idx.msk [tilespmem:v19+s13+$0x0], $0xffff  }
0xd6: {  	v19 =	vor.u32 s14, v6;
	_ =	sdelay $0x3  }
0xd7: {  	[tilespmem:s15+$0x40C0] =	vst v18  }
0xd8: {  	v18 =	vld.idx.msk [tilespmem:v19+s13+$0x0], $0xffff  }
0xd9: {  	v19 =	vor.u32 s14, v9;
	_ =	sdelay $0x3  }
0xda: {  	[tilespmem:s15+$0x40D0] =	vst v18  }
0xdb: {  	s17 =	simm.s32 $0x2;
	s16 =	simm.s32 $0x1;
	s14 =	simm.s32 $0x80;
	v18 =	vld.idx.msk [tilespmem:v19+s13+$0x0], $0xffff  }
.LBB2_12:
0xdc: {  	p0 =	sne.s32 s17, $0x7F;
	v19 =	vor.u32 s14, v0;
	_ =	sdelay $0x3  }
0xdd: {  	[tilespmem:s15+$0x40E0] =	vst v18  }
0xde: {  	v18 =	vld.idx.msk [tilespmem:v19+s13+$0x0], $0xffff  }
0xdf: {  	s15 =	sshrl.u32 s16, $0x3  }
0xe0: {  	s18 =	sand.u32 $0x7, s16;
	s16 =	smov.u32 s17;
	s15 =	smul.u32 $0x3000, s15  }
0xe1: {  	s18 =	smul.u32 $0x600, s18;
	v19 =	vor.u32 s14, v1;
	_ =	sdelay $0x1  }
0xe2: {  	s18 =	sshrl.u32 s18, $0x2;
	s15 =	sshra.s32 s15, $0x2  }
0xe3: {  	s15 =	sadd.s32 s18, s15;
	v18 =	vnsel vm1, $0x0, v18  }
0xe4: {  	[tilespmem:s15+$0x4070] =	vst v18  }
0xe5: {  	v18 =	vld.idx.msk [tilespmem:v19+s13+$0x0], $0xffff;
	_ =	sdelay $0x2  }
0xe6: {  	v19 =	vor.u32 s14, v8;
	_ =	sdelay $0x2  }
0xe7: {  	v18 =	vnsel vm0, $0x0, v18  }
0xe8: {  	[tilespmem:s15+$0x40F0] =	vst v18  }
0xe9: {  	v18 =	vld.idx.msk [tilespmem:v19+s13+$0x0], $0xffff;
	_ =	sdelay $0x1  }
0xea: {  	v19 =	vor.u32 s14, v2;
	_ =	sdelay $0x3  }
0xeb: {  	[tilespmem:s15+$0x4080] =	vst v18  }
0xec: {  	v18 =	vld.idx.msk [tilespmem:v19+s13+$0x0], $0xffff;
	_ =	sdelay $0x1  }
0xed: {  	v19 =	vor.u32 s14, v3;
	_ =	sdelay $0x3  }
0xee: {  	[tilespmem:s15+$0x4090] =	vst v18  }
0xef: {  	v18 =	vld.idx.msk [tilespmem:v19+s13+$0x0], $0xffff;
	_ =	sdelay $0x1  }
0xf0: {  	v19 =	vor.u32 s14, v4;
	_ =	sdelay $0x3  }
0xf1: {  	[tilespmem:s15+$0x40A0] =	vst v18  }
0xf2: {  	v18 =	vld.idx.msk [tilespmem:v19+s13+$0x0], $0xffff;
	_ =	sdelay $0x1  }
0xf3: {  	v19 =	vor.u32 s14, v5;
	_ =	sdelay $0x3  }
0xf4: {  	[tilespmem:s15+$0x40B0] =	vst v18  }
0xf5: {  	v18 =	vld.idx.msk [tilespmem:v19+s13+$0x0], $0xffff;
	_ =	sdelay $0x1  }
0xf6: {  	v19 =	vor.u32 s14, v6;
	_ =	sdelay $0x3  }
0xf7: {  	[tilespmem:s15+$0x40C0] =	vst v18  }
0xf8: {  	v18 =	vld.idx.msk [tilespmem:v19+s13+$0x0], $0xffff;
	_ =	sdelay $0x1  }
0xf9: {  	v19 =	vor.u32 s14, v9;
	_ =	sdelay $0x1  }
.Ltmp7:
0xfa: {  	(pc) =	sbr.rel @p0 .LBB2_12-.Ltmp7, $4  }
0xfb: {  	_ = 	snop  }
0xfc: {  	[tilespmem:s15+$0x40D0] =	vst v18  }
0xfd: {  	v18 =	vld.idx.msk [tilespmem:v19+s13+$0x0], $0xffff  }
0xfe: {  	s17 =	sadd.s32 $0x1, s17;
	s14 =	sshll.u32 s16, $0x7  }
0xff: {  	v19 =	vor.u32 s14, v0;
	_ =	sdelay $0x3  }
0x100: {  	[tilespmem:s15+$0x40E0] =	vst v18  }
0x101: {  	s31 =	sand.u32 $0x7, s16;
	v18 =	vld.idx.msk [tilespmem:v19+s13+$0x0], $0xffff  }
0x102: {  	s30 =	sshrl.u32 s16, $0x3;
	s16 =	smul.u32 $0x600, s31  }
0x103: {  	s15 =	smul.u32 $0x3000, s30;
	v19 =	vor.u32 s14, v1;
	_ =	sdelay $0x1  }
0x104: {  	s16 =	sshrl.u32 s16, $0x2;
	s15 =	sshra.s32 s15, $0x2  }
0x105: {  	s15 =	sadd.s32 s16, s15;
	v18 =	vnsel vm1, $0x0, v18  }
0x106: {  	[tilespmem:s15+$0x4070] =	vst v18  }
0x107: {  	v18 =	vld.idx.msk [tilespmem:v19+s13+$0x0], $0xffff;
	_ =	sdelay $0x1  }
0x108: {  	v19 =	vor.u32 s14, v8;
	_ =	sdelay $0x2  }
0x109: {  	v18 =	vnsel vm0, $0x0, v18  }
0x10a: {  	[tilespmem:s15+$0x40F0] =	vst v18  }
0x10b: {  	v18 =	vld.idx.msk [tilespmem:v19+s13+$0x0], $0xffff  }
0x10c: {  	v19 =	vor.u32 s14, v2;
	_ =	sdelay $0x3  }
0x10d: {  	[tilespmem:s15+$0x4080] =	vst v18  }
0x10e: {  	v18 =	vld.idx.msk [tilespmem:v19+s13+$0x0], $0xffff  }
0x10f: {  	v19 =	vor.u32 s14, v3;
	_ =	sdelay $0x3  }
0x110: {  	[tilespmem:s15+$0x4090] =	vst v18  }
0x111: {  	v18 =	vld.idx.msk [tilespmem:v19+s13+$0x0], $0xffff  }
0x112: {  	v19 =	vor.u32 s14, v4;
	_ =	sdelay $0x3  }
0x113: {  	[tilespmem:s15+$0x40A0] =	vst v18  }
0x114: {  	v18 =	vld.idx.msk [tilespmem:v19+s13+$0x0], $0xffff  }
0x115: {  	v19 =	vor.u32 s14, v5;
	_ =	sdelay $0x3  }
0x116: {  	[tilespmem:s15+$0x40B0] =	vst v18  }
0x117: {  	v18 =	vld.idx.msk [tilespmem:v19+s13+$0x0], $0xffff  }
0x118: {  	v19 =	vor.u32 s14, v6;
	_ =	sdelay $0x3  }
0x119: {  	[tilespmem:s15+$0x40C0] =	vst v18  }
0x11a: {  	v18 =	vld.idx.msk [tilespmem:v19+s13+$0x0], $0xffff  }
0x11b: {  	v19 =	vor.u32 s14, v9;
	_ =	sdelay $0x3  }
0x11c: {  	[tilespmem:s15+$0x40D0] =	vst v18  }
0x11d: {  	v18 =	vld.idx.msk [tilespmem:v19+s13+$0x0], $0xffff;
	_ =	sdelay $0x4  }
0x11e: {  	s14 =	simm.s32 $0x4000;
	[tilespmem:s15+$0x40E0] =	vst v18  }
.LBB2_14:
0x11f: {  	s15 =	sshll.u32 s4, $0xC;
	s16 =	sshll.u32 s13, $0xF  }
0x120: {  	s15 =	sor.u32 s15, s16  }
0x121: {  	s15 =	sadd.s32 s6, s15  }
0x122: {  	s19 =	sadd.s32 $0x0, s14;
	s16 =	sadd.s32 s2, s15  }
0x123: {  	[hbm4b:s16+s3] =	stream.linear.scatter [tilespmem:s19], [sflag:$0x1], $0x80, $0x38;
	[tilespmem:$0x16000] =	vst v63  }
0x124: {  	s17 =	sadd.s32 $0x180, s19;
	s18 =	sadd.s32 $0x10, s16  }
0x125: {  	[hbm4b:s18+s3] =	stream.linear.scatter [tilespmem:s17], [sflag:$0x1], $0x80, $0x38;
	[tilespmem:$0x16000] =	vst v63  }
0x126: {  	s21 =	sadd.s32 $0x300, s19;
	s23 =	sadd.s32 $0x480, s19;
	s22 =	sadd.s32 $0x20, s16  }
0x127: {  	[hbm4b:s22+s3] =	stream.linear.scatter [tilespmem:s21], [sflag:$0x1], $0x80, $0x38;
	[tilespmem:$0x16000] =	vst v63  }
0x128: {  	s25 =	sadd.s32 $0x600, s19;
	s28 =	sadd.s32 $0x780, s19;
	s24 =	sadd.s32 $0x30, s16  }
0x129: {  	[hbm4b:s24+s3] =	stream.linear.scatter [tilespmem:s23], [sflag:$0x1], $0x80, $0x38;
	[tilespmem:$0x16000] =	vst v63  }
0x12a: {  	s30 =	sadd.s32 $0x900, s19;
	s26 =	sadd.s32 $0x40, s16;
	s29 =	sadd.s32 $0x50, s16  }
0x12b: {  	[hbm4b:s26+s3] =	stream.linear.scatter [tilespmem:s25], [sflag:$0x1], $0x80, $0x38;
	[tilespmem:$0x16000] =	vst v63  }
0x12c: {  	s31 =	sadd.s32 $0x60, s16;
	s19 =	sadd.s32 $0xA80, s19;
	s20 =	sadd.s32 $0x70, s16  }
0x12d: {  	[hbm4b:s29+s3] =	stream.linear.scatter [tilespmem:s28], [sflag:$0x1], $0x80, $0x38;
	[tilespmem:$0x16000] =	vst v63  }
0x12e: {  	s16 =	sadd.s32 $0x100, s16;
	s17 =	simm.s32 $0xC00;
	s18 =	simm.s32 $0x6000  }
0x12f: {  	[hbm4b:s31+s3] =	stream.linear.scatter [tilespmem:s30], [sflag:$0x1], $0x80, $0x38;
	[tilespmem:$0x16000] =	vst v63  }
.LBB2_15:
0x130: {  	[hbm4b:s20+s3] =	stream.linear.scatter [tilespmem:s19], [sflag:$0x1], $0x80, $0x38;
	[tilespmem:$0x16000] =	vst v63  }
0x131: {  	s19 =	smov.u32 s18  }
0x132: {  	s21 =	sadd.s32 $0x3000, s18;
	s20 =	sadd.s32 s17, s14;
	s17 =	sshra.s32 s19, $0x2  }
0x133: {  	[hbm4b:s16+s3] =	stream.linear.scatter [tilespmem:s20], [sflag:$0x1], $0x80, $0x38;
	[tilespmem:$0x16000] =	vst v63  }
0x134: {  	p0 =	sne.s32 s18, $0x2D000;
	s18 =	sadd.s32 $0x180, s20;
	s19 =	sadd.s32 $0x10, s16  }
0x135: {  	[hbm4b:s19+s3] =	stream.linear.scatter [tilespmem:s18], [sflag:$0x1], $0x80, $0x38;
	[tilespmem:$0x16000] =	vst v63  }
0x136: {  	s18 =	sadd.s32 $0x300, s20;
	s19 =	sadd.s32 $0x20, s16  }
0x137: {  	[hbm4b:s19+s3] =	stream.linear.scatter [tilespmem:s18], [sflag:$0x1], $0x80, $0x38;
	[tilespmem:$0x16000] =	vst v63  }
0x138: {  	s18 =	sadd.s32 $0x480, s20;
	s19 =	sadd.s32 $0x30, s16  }
0x139: {  	[hbm4b:s19+s3] =	stream.linear.scatter [tilespmem:s18], [sflag:$0x1], $0x80, $0x38;
	[tilespmem:$0x16000] =	vst v63  }
0x13a: {  	s18 =	sadd.s32 $0x600, s20;
	s19 =	sadd.s32 $0x40, s16  }
0x13b: {  	[hbm4b:s19+s3] =	stream.linear.scatter [tilespmem:s18], [sflag:$0x1], $0x80, $0x38;
	[tilespmem:$0x16000] =	vst v63  }
0x13c: {  	s18 =	sadd.s32 $0x780, s20;
	s19 =	sadd.s32 $0x50, s16  }
0x13d: {  	[hbm4b:s19+s3] =	stream.linear.scatter [tilespmem:s18], [sflag:$0x1], $0x80, $0x38;
	[tilespmem:$0x16000] =	vst v63  }
.Ltmp8:
0x13e: {  	_ = 	snop;
	(pc) =	sbr.rel @p0 .LBB2_15-.Ltmp8, $4  }
0x13f: {  	s18 =	sadd.s32 $0x900, s20;
	s19 =	sadd.s32 $0x60, s16  }
0x140: {  	[hbm4b:s19+s3] =	stream.linear.scatter [tilespmem:s18], [sflag:$0x1], $0x80, $0x38;
	[tilespmem:$0x16000] =	vst v63  }
0x141: {  	s19 =	sadd.s32 $0xA80, s20  }
0x142: {  	s20 =	sadd.s32 $0x70, s16;
	s16 =	sadd.s32 $0x100, s16;
	s18 =	smov.u32 s21  }
0x143: {  	[hbm4b:s20+s3] =	stream.linear.scatter [tilespmem:s19], [sflag:$0x1], $0x80, $0x38;
	[tilespmem:$0x16000] =	vst v63  }
0x144: {  	s17 =	sadd.s32 s17, s14  }
0x145: {  	[hbm4b:s16+s3] =	stream.linear.scatter [tilespmem:s17], [sflag:$0x1], $0x80, $0x38;
	[tilespmem:$0x16000] =	vst v63  }
0x146: {  	s31 =	sadd.s32 $0x10, s16;
	s18 =	sadd.s32 $0x180, s17  }
0x147: {  	[hbm4b:s31+s3] =	stream.linear.scatter [tilespmem:s18], [sflag:$0x1], $0x80, $0x38;
	[tilespmem:$0x16000] =	vst v63  }
0x148: {  	s21 =	sadd.s32 $0x20, s16;
	s20 =	sadd.s32 $0x300, s17  }
0x149: {  	[hbm4b:s21+s3] =	stream.linear.scatter [tilespmem:s20], [sflag:$0x1], $0x80, $0x38;
	[tilespmem:$0x16000] =	vst v63  }
0x14a: {  	s23 =	sadd.s32 $0x30, s16;
	s22 =	sadd.s32 $0x480, s17  }
0x14b: {  	[hbm4b:s23+s3] =	stream.linear.scatter [tilespmem:s22], [sflag:$0x1], $0x80, $0x38;
	[tilespmem:$0x16000] =	vst v63  }
0x14c: {  	s25 =	sadd.s32 $0x40, s16;
	s24 =	sadd.s32 $0x600, s17  }
0x14d: {  	[hbm4b:s25+s3] =	stream.linear.scatter [tilespmem:s24], [sflag:$0x1], $0x80, $0x38;
	[tilespmem:$0x16000] =	vst v63  }
0x14e: {  	s28 =	sadd.s32 $0x50, s16;
	s26 =	sadd.s32 $0x780, s17  }
0x14f: {  	[hbm4b:s28+s3] =	stream.linear.scatter [tilespmem:s26], [sflag:$0x1], $0x80, $0x38;
	[tilespmem:$0x16000] =	vst v63  }
0x150: {  	s30 =	sadd.s32 $0x60, s16;
	s29 =	sadd.s32 $0x900, s17  }
0x151: {  	[hbm4b:s30+s3] =	stream.linear.scatter [tilespmem:s29], [sflag:$0x1], $0x80, $0x38;
	[tilespmem:$0x16000] =	vst v63  }
0x152: {  	s17 =	sadd.s32 $0xA80, s17;
	s31 =	sadd.s32 $0x70, s16;
	s18 =	sadd.s32 $0x0, s14  }
0x153: {  	[hbm4b:s31+s3] =	stream.linear.scatter [tilespmem:s17], [sflag:$0x1], $0x80, $0x38;
	[tilespmem:$0x16000] =	vst v63  }
0x154: {  	s15 =	sadd.s32 s15, s7;
	s17 =	sadd.s32 $0x80, s18  }
0x155: {  	[hbm4b:s15+s3] =	stream.linear.scatter [tilespmem:s17], [sflag:$0x1], $0x80, $0x38;
	[tilespmem:$0x16000] =	vst v63  }
0x156: {  	s19 =	sadd.s32 $0x200, s18;
	s20 =	sadd.s32 $0x10, s15  }
0x157: {  	[hbm4b:s20+s3] =	stream.linear.scatter [tilespmem:s19], [sflag:$0x1], $0x80, $0x38;
	[tilespmem:$0x16000] =	vst v63  }
0x158: {  	s16 =	simm.s32 $0xC00;
	s21 =	sadd.s32 $0x380, s18;
	s22 =	sadd.s32 $0x20, s15  }
0x159: {  	[hbm4b:s22+s3] =	stream.linear.scatter [tilespmem:s21], [sflag:$0x1], $0x80, $0x38;
	[tilespmem:$0x16000] =	vst v63  }
0x15a: {  	s23 =	sadd.s32 $0x500, s18;
	s24 =	sadd.s32 $0x30, s15;
	s25 =	sadd.s32 $0x680, s18  }
0x15b: {  	[hbm4b:s24+s3] =	stream.linear.scatter [tilespmem:s23], [sflag:$0x1], $0x80, $0x38;
	[tilespmem:$0x16000] =	vst v63  }
0x15c: {  	s26 =	sadd.s32 $0x40, s15;
	s28 =	sadd.s32 $0x800, s18;
	s29 =	sadd.s32 $0x50, s15  }
0x15d: {  	[hbm4b:s26+s3] =	stream.linear.scatter [tilespmem:s25], [sflag:$0x1], $0x80, $0x38;
	[tilespmem:$0x16000] =	vst v63  }
0x15e: {  	s30 =	sadd.s32 $0x980, s18;
	s31 =	sadd.s32 $0x60, s15;
	s18 =	sadd.s32 $0xB00, s18  }
0x15f: {  	[hbm4b:s29+s3] =	stream.linear.scatter [tilespmem:s28], [sflag:$0x1], $0x80, $0x38;
	[tilespmem:$0x16000] =	vst v63  }
0x160: {  	s17 =	simm.s32 $0x6000;
	s19 =	sadd.s32 $0x70, s15;
	s15 =	sadd.s32 $0x100, s15  }
0x161: {  	[hbm4b:s31+s3] =	stream.linear.scatter [tilespmem:s30], [sflag:$0x1], $0x80, $0x38;
	[tilespmem:$0x16000] =	vst v63  }
.LBB2_17:
0x162: {  	[hbm4b:s19+s3] =	stream.linear.scatter [tilespmem:s18], [sflag:$0x1], $0x80, $0x38;
	[tilespmem:$0x16000] =	vst v63  }
0x163: {  	s18 =	smov.u32 s17  }
0x164: {  	s20 =	sadd.s32 $0x3000, s17;
	s19 =	sadd.s32 s16, s14;
	s16 =	sshra.s32 s18, $0x2  }
0x165: {  	p0 =	sne.s32 s17, $0x2D000;
	s17 =	sadd.s32 $0x80, s19  }
0x166: {  	[hbm4b:s15+s3] =	stream.linear.scatter [tilespmem:s17], [sflag:$0x1], $0x80, $0x38;
	[tilespmem:$0x16000] =	vst v63  }
0x167: {  	s18 =	sadd.s32 $0x10, s15;
	s17 =	sadd.s32 $0x200, s19  }
0x168: {  	[hbm4b:s18+s3] =	stream.linear.scatter [tilespmem:s17], [sflag:$0x1], $0x80, $0x38;
	[tilespmem:$0x16000] =	vst v63  }
0x169: {  	s17 =	sadd.s32 $0x380, s19;
	s18 =	sadd.s32 $0x20, s15  }
0x16a: {  	[hbm4b:s18+s3] =	stream.linear.scatter [tilespmem:s17], [sflag:$0x1], $0x80, $0x38;
	[tilespmem:$0x16000] =	vst v63  }
0x16b: {  	s17 =	sadd.s32 $0x500, s19;
	s18 =	sadd.s32 $0x30, s15  }
0x16c: {  	[hbm4b:s18+s3] =	stream.linear.scatter [tilespmem:s17], [sflag:$0x1], $0x80, $0x38;
	[tilespmem:$0x16000] =	vst v63  }
0x16d: {  	s17 =	sadd.s32 $0x680, s19;
	s18 =	sadd.s32 $0x40, s15  }
0x16e: {  	[hbm4b:s18+s3] =	stream.linear.scatter [tilespmem:s17], [sflag:$0x1], $0x80, $0x38;
	[tilespmem:$0x16000] =	vst v63  }
0x16f: {  	s17 =	sadd.s32 $0x800, s19;
	s18 =	sadd.s32 $0x50, s15  }
0x170: {  	[hbm4b:s18+s3] =	stream.linear.scatter [tilespmem:s17], [sflag:$0x1], $0x80, $0x38;
	[tilespmem:$0x16000] =	vst v63  }
.Ltmp9:
0x171: {  	_ = 	snop;
	(pc) =	sbr.rel @p0 .LBB2_17-.Ltmp9, $4  }
0x172: {  	s17 =	sadd.s32 $0x980, s19;
	s18 =	sadd.s32 $0x60, s15  }
0x173: {  	[hbm4b:s18+s3] =	stream.linear.scatter [tilespmem:s17], [sflag:$0x1], $0x80, $0x38;
	[tilespmem:$0x16000] =	vst v63  }
0x174: {  	s18 =	sadd.s32 $0xB00, s19  }
0x175: {  	s19 =	sadd.s32 $0x70, s15;
	s15 =	sadd.s32 $0x100, s15;
	s17 =	smov.u32 s20  }
0x176: {  	[hbm4b:s19+s3] =	stream.linear.scatter [tilespmem:s18], [sflag:$0x1], $0x80, $0x38;
	[tilespmem:$0x16000] =	vst v63  }
0x177: {  	s16 =	sadd.s32 s16, s14  }
0x178: {  	s17 =	sadd.s32 $0x80, s16  }
0x179: {  	[hbm4b:s15+s3] =	stream.linear.scatter [tilespmem:s17], [sflag:$0x1], $0x80, $0x38;
	[tilespmem:$0x16000] =	vst v63  }
0x17a: {  	s19 =	sadd.s32 $0x10, s15;
	s18 =	sadd.s32 $0x200, s16  }
0x17b: {  	[hbm4b:s19+s3] =	stream.linear.scatter [tilespmem:s18], [sflag:$0x1], $0x80, $0x38;
	[tilespmem:$0x16000] =	vst v63  }
0x17c: {  	s21 =	sadd.s32 $0x20, s15;
	s20 =	sadd.s32 $0x380, s16  }
0x17d: {  	[hbm4b:s21+s3] =	stream.linear.scatter [tilespmem:s20], [sflag:$0x1], $0x80, $0x38;
	[tilespmem:$0x16000] =	vst v63  }
0x17e: {  	s23 =	sadd.s32 $0x30, s15;
	s22 =	sadd.s32 $0x500, s16  }
0x17f: {  	[hbm4b:s23+s3] =	stream.linear.scatter [tilespmem:s22], [sflag:$0x1], $0x80, $0x38;
	[tilespmem:$0x16000] =	vst v63  }
0x180: {  	s25 =	sadd.s32 $0x40, s15;
	s13 =	sadd.s32 $0x1, s13;
	s24 =	sadd.s32 $0x680, s16  }
0x181: {  	[hbm4b:s25+s3] =	stream.linear.scatter [tilespmem:s24], [sflag:$0x1], $0x80, $0x38;
	[tilespmem:$0x16000] =	vst v63  }
0x182: {  	s28 =	sadd.s32 $0x50, s15;
	s26 =	sadd.s32 $0x800, s16;
	p0 =	sne.s32 s13, $0x10  }
0x183: {  	[hbm4b:s28+s3] =	stream.linear.scatter [tilespmem:s26], [sflag:$0x1], $0x80, $0x38;
	[tilespmem:$0x16000] =	vst v63  }
.Ltmp10:
0x184: {  	_ = 	snop;
	(pc) =	sbr.rel @p0 .LBB2_14-.Ltmp10, $4  }
0x185: {  	s30 =	sadd.s32 $0x60, s15;
	s29 =	sadd.s32 $0x980, s16  }
0x186: {  	[hbm4b:s30+s3] =	stream.linear.scatter [tilespmem:s29], [sflag:$0x1], $0x80, $0x38;
	[tilespmem:$0x16000] =	vst v63  }
0x187: {  	s31 =	sadd.s32 $0x70, s15;
	s14 =	sadd.s32 $0x8, s14;
	s16 =	sadd.s32 $0xB00, s16  }
0x188: {  	[hbm4b:s31+s3] =	stream.linear.scatter [tilespmem:s16], [sflag:$0x1], $0x80, $0x38;
	[tilespmem:$0x16000] =	vst v63  }
0x189: {  	_ =	swait.ge [sflag:s11], $0x2000  }
0x18a: {  	[sflag:s11] =	ssyncset.done $0x0  }
0x18b: {  	[sflag:s11] =	ssyncadd.s32 $0xFFFFE000  }
0x18c: {  	_ =	swait.ge [sflag:s11], $0x4000  }
0x18d: {  	[sflag:s11] =	ssyncset.done $0x0  }
0x18e: {  	[sflag:s11] =	ssyncadd.s32 $0xFFFFC000  }
0x18f: {  	_ =	swait.ge [sflag:s11], $0x4000  }
0x190: {  	s13 =	simm.s32 $0xF;
	[sflag:s11] =	ssyncset.done $0x0  }
.LBB2_20:
0x191: {  	p0 =	sne.s32 s13, $0x1;
	s13 =	sadd.s32 $0xFFFFFFFF, s13;
	[sflag:s11] =	ssyncadd.s32 $0xFFFFC000  }
0x192: {  	_ =	swait.ge [sflag:s11], $0x2000  }
0x193: {  	[sflag:s11] =	ssyncset.done $0x0  }
0x194: {  	[sflag:s11] =	ssyncadd.s32 $0xFFFFE000  }
.Ltmp11:
0x195: {  	_ =	swait.ge [sflag:s11], $0x4000;
	(pc) =	sbr.rel @p0 .LBB2_20-.Ltmp11, $4  }
0x196: {  	[sflag:s11] =	ssyncset.done $0x0  }
0x197: {  	[sflag:s11] =	ssyncadd.s32 $0xFFFFC000  }
0x198: {  	_ =	swait.ge [sflag:s11], $0x4000  }
0x199: {  	[sflag:s11] =	ssyncset.done $0x0  }
0x19a: {  	s12 =	sadd.s32 $0x1, s12  }
0x19b: {  	p0 =	sne.s32 s12, s8  }
.Ltmp12:
0x19c: {  	_ = 	snop;
	(pc) =	sbr.rel @p0 .LBB2_1-.Ltmp12, $2  }
0x19d: {  	_ =	sdelay $0x2  }
0x19e: {  	[sflag:s11] =	ssyncadd.s32 $0xFFFFC000  }
0x19f: {  	_ =	sfence.sel $0x180000  }
0x1a0: {  	[bflag:$0x0] =	sbarrier.arrive $0xFFFF  }
0x1a1: {  	p0 =	sne.s32 s1, $0x0;
	_ =	strace $0x90000047  }
0x1a2: {  	s0 =	sadd.s32 @!p0 $0x100000, s0;
	[bflag:$0x2] =	sbarrier.arrive $0xFFFF  }
0x1a3: {  	[sflag:s0] =	ssyncadd.tile.s32 @!p0 $0x1;
	_ =	shalt  }
.Lfunc_end2:
_tile_overlayer_lowered:
.L_overlay_start_2:
0x1a4: {  	(tag) =	ssettag $0x2  }
0x1a5: {  	s0 =	rddreg [dreg:$0x0];
	s2 =	stileid.u32  }
0x1a6: {  	s1 =	rddreg [dreg:$0x1];
	p0 =	sne.s32 s2, $0x0  }
0x1a7: {  	s3 =	rddreg [dreg:$0x2];
	[bflag:$0x3] =	sbarrier.arrive $0xFFFF;
	s2 =	simm.s32 @!p0 $0x1C02  }
0x1a8: {  	[timem:s3], [sflag:s2] =	dma.local @!p0 [hbm:s0], s1  }
0x1a9: {  	s0 =	simm.s32 @!p0 $0x2  }
0x1aa: {  	_ =	swait.ge @!p0 [sflag:s0], s1  }
0x1ab: {  	s1 =	ssub.s32 @!p0 $0x0, s1;
	[sflag:s0] =	ssyncset.done @!p0 $0x0  }
0x1ac: {  	[sflag:s0] =	ssyncadd.s32 @!p0 s1  }
0x1ad: {  	[bflag:$0x3] =	sbarrier.arrive $0xFFFF  }
0x1ae: {  	_ =	shalt  }

</sc_bundles>
